<compile_context>
chip_gen: v7x
topology: tpu7x:2x2x1
jax: 0.10.2.dev20260603
libtpu: 0.0.44.dev20260713+nightly
codegen_flags: <defaults>
</compile_context>

<pallas_src>
import functools

import numpy as np
import jax
import jax.numpy as jnp
from jax import lax
from jax.experimental import pallas as pl
from jax.experimental.pallas import tpu as pltpu
from jax.experimental.pallas import tpu_sc as plsc

_MAX_LEN = 200
_EMB = 64
_BATCH = 4096

_NC = 2
_NS = 16
_NW = _NC * _NS
_TOTAL = _BATCH * _MAX_LEN
_PER_W = _TOTAL // _NW
_CHUNK = 128
_N_CHUNKS = _PER_W // _CHUNK
_LANES = 16


def _pos_encoding():
    pos = np.arange(_MAX_LEN).reshape(-1, 1)
    i = np.arange(_EMB / 2).reshape(1, -1)
    pe = np.empty((_MAX_LEN, _EMB))
    pe[:, 0::2] = np.sin(pos / np.power(10000, 2 * i / _EMB))
    pe[:, 1::2] = np.cos(pos / np.power(10000, 2 * i / _EMB))
    return pe.astype(np.float32)


_POS2X = np.concatenate([_pos_encoding(), _pos_encoding()], axis=0)


def _body(idx_hbm, table_hbm, pos_hbm, emb_out, mask_out,
          idx_v, pos_v, rows_v, mask_v, gsem):
    c = lax.axis_index("c")
    s = lax.axis_index("s")
    wid = s * _NC + c
    base = wid * _PER_W

    pltpu.sync_copy(idx_hbm.at[wid], idx_v)
    pltpu.sync_copy(pos_hbm, pos_v)

    @pl.loop(0, _N_CHUNKS)
    def _chunk(g):
        pltpu.async_copy(table_hbm.at[idx_v.at[g]], rows_v, gsem).wait()
        p0 = lax.rem(g * _CHUNK, _MAX_LEN)

        @pl.loop(0, _CHUNK, unroll=4)
        def _add(r):
            for j in range(_EMB // _LANES):
                pv = pos_v[p0 + r, pl.ds(j * _LANES, _LANES)]
                plsc.addupdate(rows_v.at[r, pl.ds(j * _LANES, _LANES)], pv)

        pltpu.sync_copy(rows_v, emb_out.at[pl.ds(base + g * _CHUNK, _CHUNK)])

    @pl.loop(0, _N_CHUNKS)
    def _mask(r):
        for q in range(_CHUNK // _LANES):
            x = idx_v[r, pl.ds(q * _LANES, _LANES)]
            m = jnp.where(x == 0, 0.0, 1.0).astype(jnp.float32)
            mask_v[pl.ds(r * _CHUNK + q * _LANES, _LANES)] = m

    pltpu.sync_copy(mask_v, mask_out.at[wid])


@jax.jit
def _encode(idx, table, pos):
    grid_kernel = pl.kernel(
        _body,
        out_type=[
            jax.ShapeDtypeStruct((_TOTAL, _EMB), jnp.float32),
            jax.ShapeDtypeStruct((_NW, _PER_W), jnp.float32),
        ],
        mesh=plsc.VectorSubcoreMesh(core_axis_name="c", subcore_axis_name="s"),
        compiler_params=pltpu.CompilerParams(use_tc_tiling_on_sc=False),
        scratch_types=[
            pltpu.VMEM((_N_CHUNKS, _CHUNK), jnp.int32),
            pltpu.VMEM((2 * _MAX_LEN, _EMB), jnp.float32),
            pltpu.VMEM((_CHUNK, _EMB), jnp.float32),
            pltpu.VMEM((_PER_W,), jnp.float32),
            pltpu.SemaphoreType.DMA,
        ],
    )
    return grid_kernel(idx, table, pos)


def kernel(inputs, table):
    idx = inputs.astype(jnp.int32).reshape(_NW, _N_CHUNKS, _CHUNK)
    pos = jnp.asarray(_POS2X)
    emb_flat, mask_flat = _encode(idx, table, pos)
    emb = emb_flat.reshape(_BATCH, _MAX_LEN, _EMB)
    mask = mask_flat.reshape(_BATCH, 1, _MAX_LEN)
    return emb, mask

# --- scband reference (transcript-rebuilt; emitter-appended) ---
"""Pipeline reference for scband-input-layer-encoder-57131654971575 (READ-ONLY COPY).

The authoritative reference and input builder live on the scoring server;
editing this copy changes nothing except your own understanding.
"""

import jax, jax.numpy as jnp
import numpy as np

MAX_LEN = 200
EMB = 64
VOCAB = 100000

def _positional_embedding(max_len, emb):
    pos = np.arange(max_len).reshape(1, -1).T
    i = np.arange(emb / 2).reshape(1, -1)
    pe = np.empty((1, max_len, emb))
    pe[:, :, 0::2] = np.sin(pos / np.power(10000, 2 * i / emb))
    pe[:, :, 1::2] = np.cos(pos / np.power(10000, 2 * i / emb))
    return jnp.asarray(pe, dtype=jnp.float32)

def setup_inputs(seed: int = 0) -> dict:
    key = jax.random.key(seed)
    k1, k2 = jax.random.split(key)
    inputs = jax.random.randint(k1, (4096, MAX_LEN), 0, VOCAB, dtype=jnp.int64 if jax.config.jax_enable_x64 else jnp.int32)
    # Keras Embedding default init: uniform(-0.05, 0.05)
    table = jax.random.uniform(k2, (VOCAB, EMB), minval=-0.05, maxval=0.05, dtype=jnp.float32)
    return {"inputs": inputs, "table": table}

def reference(inputs, table):
    # padding mask: 1 - (inputs == 0), shape [B, 1, L]
    mask = 1.0 - jnp.equal(inputs, 0).astype(jnp.float32)
    mask = mask[:, jnp.newaxis, :]
    # embedding lookup
    emb = jnp.take(table, inputs, axis=0)
    # positional encoding
    pos_emb = _positional_embedding(MAX_LEN, EMB)
    emb = emb + pos_emb
    return (emb, mask)

if __name__ == "__main__":
    import jax
    _d = setup_inputs()
    print(jax.jit(kernel)(*tuple(_d.values())))

</pallas_src>

<mosaic_0001>
#map = affine_map<(d0, d1) -> (0, 0, 0)>
#map1 = affine_map<(d0, d1) -> (0, 0)>
module attributes {stable_mosaic.version = 14 : i64} {
  func.func @_body(%arg0: i32, %arg1: i32, %arg2: memref<32x200x128xi32, #tpu.memory_space<hbm>>, %arg3: memref<100000x64xf32, #tpu.memory_space<hbm>>, %arg4: memref<400x64xf32, #tpu.memory_space<hbm>>, %arg5: memref<819200x64xf32, #tpu.memory_space<hbm>>, %arg6: memref<32x25600xf32, #tpu.memory_space<hbm>>, %arg7: memref<200x128xi32, #tpu.memory_space<vmem>>, %arg8: memref<400x64xf32, #tpu.memory_space<vmem>>, %arg9: memref<128x64xf32, #tpu.memory_space<vmem>>, %arg10: memref<25600xf32, #tpu.memory_space<vmem>>, %arg11: memref<!tpu.dma_semaphore, #tpu.memory_space<semaphore_mem>>) attributes {dimension_semantics = [#tpu.dimension_semantics<core_parallel>, #tpu.dimension_semantics<subcore_parallel>], iteration_bounds = array<i64: 2, 16>, scalar_prefetch = 0 : i64, scratch_operands = 5 : i64, tpu.core_type = #tpu.core_type<sc_vector_subcore>, window_params = [{transform_indices = #map}, {transform_indices = #map1}, {transform_indices = #map1}, {transform_indices = #map1}, {transform_indices = #map1}]} {
    %mul3A = arith.constant 2 : i32
    %mul3A_0 = arith.muli %arg1, %mul3A : i32
    %add3A = arith.addi %mul3A_0, %arg0 : i32
    %mul3A_1 = arith.constant 25600 : i32
    %mul3A_2 = arith.muli %add3A, %mul3A_1 : i32
    "tpu.region"() ({
      %run_scoped3A = tpu.sem_alloc : memref<!tpu.dma_semaphore, #tpu.memory_space<semaphore_mem>>
      %dma_start3A = arith.constant 0 : i32
      %dma_start3A_12 = arith.constant 0 : i32
      %dma_start3A_13 = tpu.memref_slice %arg2[%add3A, %dma_start3A, %dma_start3A_12] : memref<32x200x128xi32, #tpu.memory_space<hbm>> -> memref<1x200x128xi32, #tpu.memory_space<hbm>>
      %dma_start3A_14 = tpu.memref_squeeze %dma_start3A_13 : memref<1x200x128xi32, #tpu.memory_space<hbm>> -> memref<200x128xi32, #tpu.memory_space<hbm>>
      %dma_start3A_15 = arith.constant 0 : i32
      %dma_start3A_16 = arith.constant 0 : i32
      %dma_start3A_17 = tpu.memref_slice %arg2[%add3A, %dma_start3A_15, %dma_start3A_16] : memref<32x200x128xi32, #tpu.memory_space<hbm>> -> memref<1x200x128xi32, #tpu.memory_space<hbm>>
      %dma_start3A_18 = tpu.memref_squeeze %dma_start3A_17 : memref<1x200x128xi32, #tpu.memory_space<hbm>> -> memref<200x128xi32, #tpu.memory_space<hbm>>
      tpu.enqueue_dma source(%dma_start3A_18 : memref<200x128xi32, #tpu.memory_space<hbm>>) target(%arg7 : memref<200x128xi32, #tpu.memory_space<vmem>>) target_semaphore(%run_scoped3A : memref<!tpu.dma_semaphore, #tpu.memory_space<semaphore_mem>>)
      %dma_wait3A = arith.constant 0 : i32
      %dma_wait3A_19 = arith.constant 0 : i32
      %dma_wait3A_20 = tpu.memref_slice %arg2[%add3A, %dma_wait3A, %dma_wait3A_19] : memref<32x200x128xi32, #tpu.memory_space<hbm>> -> memref<1x200x128xi32, #tpu.memory_space<hbm>>
      %dma_wait3A_21 = tpu.memref_squeeze %dma_wait3A_20 : memref<1x200x128xi32, #tpu.memory_space<hbm>> -> memref<200x128xi32, #tpu.memory_space<hbm>>
      %dma_wait3A_22 = arith.constant 0 : i32
      %dma_wait3A_23 = arith.constant 0 : i32
      %dma_wait3A_24 = tpu.memref_slice %arg2[%add3A, %dma_wait3A_22, %dma_wait3A_23] : memref<32x200x128xi32, #tpu.memory_space<hbm>> -> memref<1x200x128xi32, #tpu.memory_space<hbm>>
      %dma_wait3A_25 = tpu.memref_squeeze %dma_wait3A_24 : memref<1x200x128xi32, #tpu.memory_space<hbm>> -> memref<200x128xi32, #tpu.memory_space<hbm>>
      tpu.wait_dma2 semaphore(%run_scoped3A : memref<!tpu.dma_semaphore, #tpu.memory_space<semaphore_mem>>) src(%dma_wait3A_25 : memref<200x128xi32, #tpu.memory_space<hbm>>) dst(%arg7 : memref<200x128xi32, #tpu.memory_space<vmem>>)
      tpu.yield
    }) : () -> ()
    "tpu.region"() ({
      %run_scoped3A = tpu.sem_alloc : memref<!tpu.dma_semaphore, #tpu.memory_space<semaphore_mem>>
      tpu.enqueue_dma source(%arg4 : memref<400x64xf32, #tpu.memory_space<hbm>>) target(%arg8 : memref<400x64xf32, #tpu.memory_space<vmem>>) target_semaphore(%run_scoped3A : memref<!tpu.dma_semaphore, #tpu.memory_space<semaphore_mem>>)
      tpu.wait_dma2 semaphore(%run_scoped3A : memref<!tpu.dma_semaphore, #tpu.memory_space<semaphore_mem>>) src(%arg4 : memref<400x64xf32, #tpu.memory_space<hbm>>) dst(%arg8 : memref<400x64xf32, #tpu.memory_space<vmem>>)
      tpu.yield
    }) : () -> ()
    %scan3A = arith.constant 0 : i32
    %scan3A_3 = arith.constant 200 : i32
    %scan3A_4 = arith.addi %scan3A, %scan3A_3 : i32
    %scan3A_5 = arith.constant 1 : i32
    scf.for %scan3A_12 = %scan3A to %scan3A_4 step %scan3A_5  : i32 {
      %mul3A_13 = arith.constant 1 : i32
      %mul3A_14 = arith.muli %scan3A_12, %mul3A_13 : i32
      %add3A_15 = arith.constant 0 : i32
      %add3A_16 = arith.addi %add3A_15, %mul3A_14 : i32
      %dma_start3A = arith.constant 0 : i32
      %dma_start3A_17 = tpu.memref_slice %arg7[%add3A_16, %dma_start3A] : memref<200x128xi32, #tpu.memory_space<vmem>> -> memref<1x128xi32, #tpu.memory_space<vmem>>
      %dma_start3A_18 = tpu.memref_squeeze %dma_start3A_17 : memref<1x128xi32, #tpu.memory_space<vmem>> -> memref<128xi32, #tpu.memory_space<vmem>>
      %dma_start3A_19 = arith.constant 0 : i32
      %dma_start3A_20 = arith.constant 0 : i32
      %dma_start3A_21 = tpu.memref_slice %arg3[%dma_start3A_19, %dma_start3A_20] : memref<100000x64xf32, #tpu.memory_space<hbm>> -> memref<100000x64xf32, #tpu.memory_space<hbm>>
      tpu.enqueue_indirect_dma source(%dma_start3A_21 : memref<100000x64xf32, #tpu.memory_space<hbm>>) target(%arg9 : memref<128x64xf32, #tpu.memory_space<vmem>>) offsets(%dma_start3A_18 : memref<128xi32, #tpu.memory_space<vmem>>) semaphore(%arg11 : memref<!tpu.dma_semaphore, #tpu.memory_space<semaphore_mem>>)
      %dma_wait3A = arith.constant 0 : i32
      %dma_wait3A_22 = tpu.memref_slice %arg7[%add3A_16, %dma_wait3A] : memref<200x128xi32, #tpu.memory_space<vmem>> -> memref<1x128xi32, #tpu.memory_space<vmem>>
      %dma_wait3A_23 = tpu.memref_squeeze %dma_wait3A_22 : memref<1x128xi32, #tpu.memory_space<vmem>> -> memref<128xi32, #tpu.memory_space<vmem>>
      %dma_wait3A_24 = arith.constant 0 : i32
      %dma_wait3A_25 = arith.constant 0 : i32
      %dma_wait3A_26 = tpu.memref_slice %arg3[%dma_wait3A_24, %dma_wait3A_25] : memref<100000x64xf32, #tpu.memory_space<hbm>> -> memref<100000x64xf32, #tpu.memory_space<hbm>>
      tpu.wait_indirect_dma semaphore(%arg11 : memref<!tpu.dma_semaphore, #tpu.memory_space<semaphore_mem>>) src(%dma_wait3A_26 : memref<100000x64xf32, #tpu.memory_space<hbm>>) dst(%arg9 : memref<128x64xf32, #tpu.memory_space<vmem>>)
      %mul3A_27 = arith.constant 128 : i32
      %mul3A_28 = arith.muli %add3A_16, %mul3A_27 : i32
      %rem3A = arith.constant 200 : i32
      %rem3A_29 = arith.remsi %mul3A_28, %rem3A : i32
      %scan3A_30 = arith.constant 0 : i32
      %scan3A_31 = arith.constant 128 : i32
      %scan3A_32 = arith.addi %scan3A_30, %scan3A_31 : i32
      %scan3A_33 = arith.constant 4 : i32
      scf.for %scan3A_38 = %scan3A_30 to %scan3A_32 step %scan3A_33  : i32 {
        %mul3A_39 = arith.constant 1 : i32
        %mul3A_40 = arith.muli %scan3A_38, %mul3A_39 : i32
        %add3A_41 = arith.constant 0 : i32
        %add3A_42 = arith.addi %add3A_41, %mul3A_40 : i32
        %add3A_43 = arith.addi %rem3A_29, %add3A_42 : i32
        %get3A = arith.index_cast %add3A_43 : i32 to index
        %get3A_44 = arith.constant 0 : index
        %get3A_45 = tpu.vector_load %arg8[%get3A, %get3A_44] {strides = array<i32>} : memref<400x64xf32, #tpu.memory_space<vmem>>, vector<1x16xf32>,
        %get3A_46 = vector.shape_cast %get3A_45 : vector<1x16xf32> to vector<16xf32>
        %swap3A = arith.index_cast %add3A_42 : i32 to index
        %swap3A_47 = arith.constant 0 : index
        %swap3A_48 = tpu.vector_load %arg9[%swap3A, %swap3A_47] {strides = array<i32>} : memref<128x64xf32, #tpu.memory_space<vmem>>, vector<1x16xf32>,
        %swap3A_49 = vector.shape_cast %swap3A_48 : vector<1x16xf32> to vector<16xf32>
        %swap3A_50 = vector.shape_cast %get3A_46 : vector<16xf32> to vector<1x16xf32>
        tpu.vector_store %arg9[%swap3A, %swap3A_47], %swap3A_50 {add = true, strides = array<i32>} : memref<128x64xf32, #tpu.memory_space<vmem>>, vector<1x16xf32>,
        %add3A_51 = arith.addi %rem3A_29, %add3A_42 : i32
        %get3A_52 = arith.index_cast %add3A_51 : i32 to index
        %get3A_53 = arith.constant 16 : index
        %get3A_54 = tpu.vector_load %arg8[%get3A_52, %get3A_53] {strides = array<i32>} : memref<400x64xf32, #tpu.memory_space<vmem>>, vector<1x16xf32>,
        %get3A_55 = vector.shape_cast %get3A_54 : vector<1x16xf32> to vector<16xf32>
        %swap3A_56 = arith.index_cast %add3A_42 : i32 to index
        %swap3A_57 = arith.constant 16 : index
        %swap3A_58 = tpu.vector_load %arg9[%swap3A_56, %swap3A_57] {strides = array<i32>} : memref<128x64xf32, #tpu.memory_space<vmem>>, vector<1x16xf32>,
        %swap3A_59 = vector.shape_cast %swap3A_58 : vector<1x16xf32> to vector<16xf32>
        %swap3A_60 = vector.shape_cast %get3A_55 : vector<16xf32> to vector<1x16xf32>
        tpu.vector_store %arg9[%swap3A_56, %swap3A_57], %swap3A_60 {add = true, strides = array<i32>} : memref<128x64xf32, #tpu.memory_space<vmem>>, vector<1x16xf32>,
        %add3A_61 = arith.addi %rem3A_29, %add3A_42 : i32
        %get3A_62 = arith.index_cast %add3A_61 : i32 to index
        %get3A_63 = arith.constant 32 : index
        %get3A_64 = tpu.vector_load %arg8[%get3A_62, %get3A_63] {strides = array<i32>} : memref<400x64xf32, #tpu.memory_space<vmem>>, vector<1x16xf32>,
        %get3A_65 = vector.shape_cast %get3A_64 : vector<1x16xf32> to vector<16xf32>
        %swap3A_66 = arith.index_cast %add3A_42 : i32 to index
        %swap3A_67 = arith.constant 32 : index
        %swap3A_68 = tpu.vector_load %arg9[%swap3A_66, %swap3A_67] {strides = array<i32>} : memref<128x64xf32, #tpu.memory_space<vmem>>, vector<1x16xf32>,
        %swap3A_69 = vector.shape_cast %swap3A_68 : vector<1x16xf32> to vector<16xf32>
        %swap3A_70 = vector.shape_cast %get3A_65 : vector<16xf32> to vector<1x16xf32>
        tpu.vector_store %arg9[%swap3A_66, %swap3A_67], %swap3A_70 {add = true, strides = array<i32>} : memref<128x64xf32, #tpu.memory_space<vmem>>, vector<1x16xf32>,
        %add3A_71 = arith.addi %rem3A_29, %add3A_42 : i32
        %get3A_72 = arith.index_cast %add3A_71 : i32 to index
        %get3A_73 = arith.constant 48 : index
        %get3A_74 = tpu.vector_load %arg8[%get3A_72, %get3A_73] {strides = array<i32>} : memref<400x64xf32, #tpu.memory_space<vmem>>, vector<1x16xf32>,
        %get3A_75 = vector.shape_cast %get3A_74 : vector<1x16xf32> to vector<16xf32>
        %swap3A_76 = arith.index_cast %add3A_42 : i32 to index
        %swap3A_77 = arith.constant 48 : index
        %swap3A_78 = tpu.vector_load %arg9[%swap3A_76, %swap3A_77] {strides = array<i32>} : memref<128x64xf32, #tpu.memory_space<vmem>>, vector<1x16xf32>,
        %swap3A_79 = vector.shape_cast %swap3A_78 : vector<1x16xf32> to vector<16xf32>
        %swap3A_80 = vector.shape_cast %get3A_75 : vector<16xf32> to vector<1x16xf32>
        tpu.vector_store %arg9[%swap3A_76, %swap3A_77], %swap3A_80 {add = true, strides = array<i32>} : memref<128x64xf32, #tpu.memory_space<vmem>>, vector<1x16xf32>,
        %scan3A_81 = arith.constant 1 : i32
        %scan3A_82 = arith.addi %scan3A_38, %scan3A_81 : i32
        %mul3A_83 = arith.constant 1 : i32
        %mul3A_84 = arith.muli %scan3A_82, %mul3A_83 : i32
        %add3A_85 = arith.constant 0 : i32
        %add3A_86 = arith.addi %add3A_85, %mul3A_84 : i32
        %add3A_87 = arith.addi %rem3A_29, %add3A_86 : i32
        %get3A_88 = arith.index_cast %add3A_87 : i32 to index
        %get3A_89 = arith.constant 0 : index
        %get3A_90 = tpu.vector_load %arg8[%get3A_88, %get3A_89] {strides = array<i32>} : memref<400x64xf32, #tpu.memory_space<vmem>>, vector<1x16xf32>,
        %get3A_91 = vector.shape_cast %get3A_90 : vector<1x16xf32> to vector<16xf32>
        %swap3A_92 = arith.index_cast %add3A_86 : i32 to index
        %swap3A_93 = arith.constant 0 : index
        %swap3A_94 = tpu.vector_load %arg9[%swap3A_92, %swap3A_93] {strides = array<i32>} : memref<128x64xf32, #tpu.memory_space<vmem>>, vector<1x16xf32>,
        %swap3A_95 = vector.shape_cast %swap3A_94 : vector<1x16xf32> to vector<16xf32>
        %swap3A_96 = vector.shape_cast %get3A_91 : vector<16xf32> to vector<1x16xf32>
        tpu.vector_store %arg9[%swap3A_92, %swap3A_93], %swap3A_96 {add = true, strides = array<i32>} : memref<128x64xf32, #tpu.memory_space<vmem>>, vector<1x16xf32>,
        %add3A_97 = arith.addi %rem3A_29, %add3A_86 : i32
        %get3A_98 = arith.index_cast %add3A_97 : i32 to index
        %get3A_99 = arith.constant 16 : index
        %get3A_100 = tpu.vector_load %arg8[%get3A_98, %get3A_99] {strides = array<i32>} : memref<400x64xf32, #tpu.memory_space<vmem>>, vector<1x16xf32>,
        %get3A_101 = vector.shape_cast %get3A_100 : vector<1x16xf32> to vector<16xf32>
        %swap3A_102 = arith.index_cast %add3A_86 : i32 to index
        %swap3A_103 = arith.constant 16 : index
        %swap3A_104 = tpu.vector_load %arg9[%swap3A_102, %swap3A_103] {strides = array<i32>} : memref<128x64xf32, #tpu.memory_space<vmem>>, vector<1x16xf32>,
        %swap3A_105 = vector.shape_cast %swap3A_104 : vector<1x16xf32> to vector<16xf32>
        %swap3A_106 = vector.shape_cast %get3A_101 : vector<16xf32> to vector<1x16xf32>
        tpu.vector_store %arg9[%swap3A_102, %swap3A_103], %swap3A_106 {add = true, strides = array<i32>} : memref<128x64xf32, #tpu.memory_space<vmem>>, vector<1x16xf32>,
        %add3A_107 = arith.addi %rem3A_29, %add3A_86 : i32
        %get3A_108 = arith.index_cast %add3A_107 : i32 to index
        %get3A_109 = arith.constant 32 : index
        %get3A_110 = tpu.vector_load %arg8[%get3A_108, %get3A_109] {strides = array<i32>} : memref<400x64xf32, #tpu.memory_space<vmem>>, vector<1x16xf32>,
        %get3A_111 = vector.shape_cast %get3A_110 : vector<1x16xf32> to vector<16xf32>
        %swap3A_112 = arith.index_cast %add3A_86 : i32 to index
        %swap3A_113 = arith.constant 32 : index
        %swap3A_114 = tpu.vector_load %arg9[%swap3A_112, %swap3A_113] {strides = array<i32>} : memref<128x64xf32, #tpu.memory_space<vmem>>, vector<1x16xf32>,
        %swap3A_115 = vector.shape_cast %swap3A_114 : vector<1x16xf32> to vector<16xf32>
        %swap3A_116 = vector.shape_cast %get3A_111 : vector<16xf32> to vector<1x16xf32>
        tpu.vector_store %arg9[%swap3A_112, %swap3A_113], %swap3A_116 {add = true, strides = array<i32>} : memref<128x64xf32, #tpu.memory_space<vmem>>, vector<1x16xf32>,
        %add3A_117 = arith.addi %rem3A_29, %add3A_86 : i32
        %get3A_118 = arith.index_cast %add3A_117 : i32 to index
        %get3A_119 = arith.constant 48 : index
        %get3A_120 = tpu.vector_load %arg8[%get3A_118, %get3A_119] {strides = array<i32>} : memref<400x64xf32, #tpu.memory_space<vmem>>, vector<1x16xf32>,
        %get3A_121 = vector.shape_cast %get3A_120 : vector<1x16xf32> to vector<16xf32>
        %swap3A_122 = arith.index_cast %add3A_86 : i32 to index
        %swap3A_123 = arith.constant 48 : index
        %swap3A_124 = tpu.vector_load %arg9[%swap3A_122, %swap3A_123] {strides = array<i32>} : memref<128x64xf32, #tpu.memory_space<vmem>>, vector<1x16xf32>,
        %swap3A_125 = vector.shape_cast %swap3A_124 : vector<1x16xf32> to vector<16xf32>
        %swap3A_126 = vector.shape_cast %get3A_121 : vector<16xf32> to vector<1x16xf32>
        tpu.vector_store %arg9[%swap3A_122, %swap3A_123], %swap3A_126 {add = true, strides = array<i32>} : memref<128x64xf32, #tpu.memory_space<vmem>>, vector<1x16xf32>,
        %scan3A_127 = arith.constant 2 : i32
        %scan3A_128 = arith.addi %scan3A_38, %scan3A_127 : i32
        %mul3A_129 = arith.constant 1 : i32
        %mul3A_130 = arith.muli %scan3A_128, %mul3A_129 : i32
        %add3A_131 = arith.constant 0 : i32
        %add3A_132 = arith.addi %add3A_131, %mul3A_130 : i32
        %add3A_133 = arith.addi %rem3A_29, %add3A_132 : i32
        %get3A_134 = arith.index_cast %add3A_133 : i32 to index
        %get3A_135 = arith.constant 0 : index
        %get3A_136 = tpu.vector_load %arg8[%get3A_134, %get3A_135] {strides = array<i32>} : memref<400x64xf32, #tpu.memory_space<vmem>>, vector<1x16xf32>,
        %get3A_137 = vector.shape_cast %get3A_136 : vector<1x16xf32> to vector<16xf32>
        %swap3A_138 = arith.index_cast %add3A_132 : i32 to index
        %swap3A_139 = arith.constant 0 : index
        %swap3A_140 = tpu.vector_load %arg9[%swap3A_138, %swap3A_139] {strides = array<i32>} : memref<128x64xf32, #tpu.memory_space<vmem>>, vector<1x16xf32>,
        %swap3A_141 = vector.shape_cast %swap3A_140 : vector<1x16xf32> to vector<16xf32>
        %swap3A_142 = vector.shape_cast %get3A_137 : vector<16xf32> to vector<1x16xf32>
        tpu.vector_store %arg9[%swap3A_138, %swap3A_139], %swap3A_142 {add = true, strides = array<i32>} : memref<128x64xf32, #tpu.memory_space<vmem>>, vector<1x16xf32>,
        %add3A_143 = arith.addi %rem3A_29, %add3A_132 : i32
        %get3A_144 = arith.index_cast %add3A_143 : i32 to index
        %get3A_145 = arith.constant 16 : index
        %get3A_146 = tpu.vector_load %arg8[%get3A_144, %get3A_145] {strides = array<i32>} : memref<400x64xf32, #tpu.memory_space<vmem>>, vector<1x16xf32>,
        %get3A_147 = vector.shape_cast %get3A_146 : vector<1x16xf32> to vector<16xf32>
        %swap3A_148 = arith.index_cast %add3A_132 : i32 to index
        %swap3A_149 = arith.constant 16 : index
        %swap3A_150 = tpu.vector_load %arg9[%swap3A_148, %swap3A_149] {strides = array<i32>} : memref<128x64xf32, #tpu.memory_space<vmem>>, vector<1x16xf32>,
        %swap3A_151 = vector.shape_cast %swap3A_150 : vector<1x16xf32> to vector<16xf32>
        %swap3A_152 = vector.shape_cast %get3A_147 : vector<16xf32> to vector<1x16xf32>
        tpu.vector_store %arg9[%swap3A_148, %swap3A_149], %swap3A_152 {add = true, strides = array<i32>} : memref<128x64xf32, #tpu.memory_space<vmem>>, vector<1x16xf32>,
        %add3A_153 = arith.addi %rem3A_29, %add3A_132 : i32
        %get3A_154 = arith.index_cast %add3A_153 : i32 to index
        %get3A_155 = arith.constant 32 : index
        %get3A_156 = tpu.vector_load %arg8[%get3A_154, %get3A_155] {strides = array<i32>} : memref<400x64xf32, #tpu.memory_space<vmem>>, vector<1x16xf32>,
        %get3A_157 = vector.shape_cast %get3A_156 : vector<1x16xf32> to vector<16xf32>
        %swap3A_158 = arith.index_cast %add3A_132 : i32 to index
        %swap3A_159 = arith.constant 32 : index
        %swap3A_160 = tpu.vector_load %arg9[%swap3A_158, %swap3A_159] {strides = array<i32>} : memref<128x64xf32, #tpu.memory_space<vmem>>, vector<1x16xf32>,
        %swap3A_161 = vector.shape_cast %swap3A_160 : vector<1x16xf32> to vector<16xf32>
        %swap3A_162 = vector.shape_cast %get3A_157 : vector<16xf32> to vector<1x16xf32>
        tpu.vector_store %arg9[%swap3A_158, %swap3A_159], %swap3A_162 {add = true, strides = array<i32>} : memref<128x64xf32, #tpu.memory_space<vmem>>, vector<1x16xf32>,
        %add3A_163 = arith.addi %rem3A_29, %add3A_132 : i32
        %get3A_164 = arith.index_cast %add3A_163 : i32 to index
        %get3A_165 = arith.constant 48 : index
        %get3A_166 = tpu.vector_load %arg8[%get3A_164, %get3A_165] {strides = array<i32>} : memref<400x64xf32, #tpu.memory_space<vmem>>, vector<1x16xf32>,
        %get3A_167 = vector.shape_cast %get3A_166 : vector<1x16xf32> to vector<16xf32>
        %swap3A_168 = arith.index_cast %add3A_132 : i32 to index
        %swap3A_169 = arith.constant 48 : index
        %swap3A_170 = tpu.vector_load %arg9[%swap3A_168, %swap3A_169] {strides = array<i32>} : memref<128x64xf32, #tpu.memory_space<vmem>>, vector<1x16xf32>,
        %swap3A_171 = vector.shape_cast %swap3A_170 : vector<1x16xf32> to vector<16xf32>
        %swap3A_172 = vector.shape_cast %get3A_167 : vector<16xf32> to vector<1x16xf32>
        tpu.vector_store %arg9[%swap3A_168, %swap3A_169], %swap3A_172 {add = true, strides = array<i32>} : memref<128x64xf32, #tpu.memory_space<vmem>>, vector<1x16xf32>,
        %scan3A_173 = arith.constant 3 : i32
        %scan3A_174 = arith.addi %scan3A_38, %scan3A_173 : i32
        %mul3A_175 = arith.constant 1 : i32
        %mul3A_176 = arith.muli %scan3A_174, %mul3A_175 : i32
        %add3A_177 = arith.constant 0 : i32
        %add3A_178 = arith.addi %add3A_177, %mul3A_176 : i32
        %add3A_179 = arith.addi %rem3A_29, %add3A_178 : i32
        %get3A_180 = arith.index_cast %add3A_179 : i32 to index
        %get3A_181 = arith.constant 0 : index
        %get3A_182 = tpu.vector_load %arg8[%get3A_180, %get3A_181] {strides = array<i32>} : memref<400x64xf32, #tpu.memory_space<vmem>>, vector<1x16xf32>,
        %get3A_183 = vector.shape_cast %get3A_182 : vector<1x16xf32> to vector<16xf32>
        %swap3A_184 = arith.index_cast %add3A_178 : i32 to index
        %swap3A_185 = arith.constant 0 : index
        %swap3A_186 = tpu.vector_load %arg9[%swap3A_184, %swap3A_185] {strides = array<i32>} : memref<128x64xf32, #tpu.memory_space<vmem>>, vector<1x16xf32>,
        %swap3A_187 = vector.shape_cast %swap3A_186 : vector<1x16xf32> to vector<16xf32>
        %swap3A_188 = vector.shape_cast %get3A_183 : vector<16xf32> to vector<1x16xf32>
        tpu.vector_store %arg9[%swap3A_184, %swap3A_185], %swap3A_188 {add = true, strides = array<i32>} : memref<128x64xf32, #tpu.memory_space<vmem>>, vector<1x16xf32>,
        %add3A_189 = arith.addi %rem3A_29, %add3A_178 : i32
        %get3A_190 = arith.index_cast %add3A_189 : i32 to index
        %get3A_191 = arith.constant 16 : index
        %get3A_192 = tpu.vector_load %arg8[%get3A_190, %get3A_191] {strides = array<i32>} : memref<400x64xf32, #tpu.memory_space<vmem>>, vector<1x16xf32>,
        %get3A_193 = vector.shape_cast %get3A_192 : vector<1x16xf32> to vector<16xf32>
        %swap3A_194 = arith.index_cast %add3A_178 : i32 to index
        %swap3A_195 = arith.constant 16 : index
        %swap3A_196 = tpu.vector_load %arg9[%swap3A_194, %swap3A_195] {strides = array<i32>} : memref<128x64xf32, #tpu.memory_space<vmem>>, vector<1x16xf32>,
        %swap3A_197 = vector.shape_cast %swap3A_196 : vector<1x16xf32> to vector<16xf32>
        %swap3A_198 = vector.shape_cast %get3A_193 : vector<16xf32> to vector<1x16xf32>
        tpu.vector_store %arg9[%swap3A_194, %swap3A_195], %swap3A_198 {add = true, strides = array<i32>} : memref<128x64xf32, #tpu.memory_space<vmem>>, vector<1x16xf32>,
        %add3A_199 = arith.addi %rem3A_29, %add3A_178 : i32
        %get3A_200 = arith.index_cast %add3A_199 : i32 to index
        %get3A_201 = arith.constant 32 : index
        %get3A_202 = tpu.vector_load %arg8[%get3A_200, %get3A_201] {strides = array<i32>} : memref<400x64xf32, #tpu.memory_space<vmem>>, vector<1x16xf32>,
        %get3A_203 = vector.shape_cast %get3A_202 : vector<1x16xf32> to vector<16xf32>
        %swap3A_204 = arith.index_cast %add3A_178 : i32 to index
        %swap3A_205 = arith.constant 32 : index
        %swap3A_206 = tpu.vector_load %arg9[%swap3A_204, %swap3A_205] {strides = array<i32>} : memref<128x64xf32, #tpu.memory_space<vmem>>, vector<1x16xf32>,
        %swap3A_207 = vector.shape_cast %swap3A_206 : vector<1x16xf32> to vector<16xf32>
        %swap3A_208 = vector.shape_cast %get3A_203 : vector<16xf32> to vector<1x16xf32>
        tpu.vector_store %arg9[%swap3A_204, %swap3A_205], %swap3A_208 {add = true, strides = array<i32>} : memref<128x64xf32, #tpu.memory_space<vmem>>, vector<1x16xf32>,
        %add3A_209 = arith.addi %rem3A_29, %add3A_178 : i32
        %get3A_210 = arith.index_cast %add3A_209 : i32 to index
        %get3A_211 = arith.constant 48 : index
        %get3A_212 = tpu.vector_load %arg8[%get3A_210, %get3A_211] {strides = array<i32>} : memref<400x64xf32, #tpu.memory_space<vmem>>, vector<1x16xf32>,
        %get3A_213 = vector.shape_cast %get3A_212 : vector<1x16xf32> to vector<16xf32>
        %swap3A_214 = arith.index_cast %add3A_178 : i32 to index
        %swap3A_215 = arith.constant 48 : index
        %swap3A_216 = tpu.vector_load %arg9[%swap3A_214, %swap3A_215] {strides = array<i32>} : memref<128x64xf32, #tpu.memory_space<vmem>>, vector<1x16xf32>,
        %swap3A_217 = vector.shape_cast %swap3A_216 : vector<1x16xf32> to vector<16xf32>
        %swap3A_218 = vector.shape_cast %get3A_213 : vector<16xf32> to vector<1x16xf32>
        tpu.vector_store %arg9[%swap3A_214, %swap3A_215], %swap3A_218 {add = true, strides = array<i32>} : memref<128x64xf32, #tpu.memory_space<vmem>>, vector<1x16xf32>,
      }
      %scan3A_34 = arith.constant 128 : i32
      %mul3A_35 = arith.constant 128 : i32
      %mul3A_36 = arith.muli %add3A_16, %mul3A_35 : i32
      %add3A_37 = arith.addi %mul3A_2, %mul3A_36 : i32
      "tpu.region"() ({
        %run_scoped3A = tpu.sem_alloc : memref<!tpu.dma_semaphore, #tpu.memory_space<semaphore_mem>>
        %dma_start3A_38 = arith.constant 0 : i32
        %dma_start3A_39 = tpu.memref_slice %arg5[%add3A_37, %dma_start3A_38] : memref<819200x64xf32, #tpu.memory_space<hbm>> -> memref<128x64xf32, #tpu.memory_space<hbm>>
        %dma_start3A_40 = arith.constant 0 : i32
        %dma_start3A_41 = tpu.memref_slice %arg5[%add3A_37, %dma_start3A_40] : memref<819200x64xf32, #tpu.memory_space<hbm>> -> memref<128x64xf32, #tpu.memory_space<hbm>>
        tpu.enqueue_dma source(%arg9 : memref<128x64xf32, #tpu.memory_space<vmem>>) target(%dma_start3A_41 : memref<128x64xf32, #tpu.memory_space<hbm>>) target_semaphore(%run_scoped3A : memref<!tpu.dma_semaphore, #tpu.memory_space<semaphore_mem>>)
        %dma_wait3A_42 = arith.constant 0 : i32
        %dma_wait3A_43 = tpu.memref_slice %arg5[%add3A_37, %dma_wait3A_42] : memref<819200x64xf32, #tpu.memory_space<hbm>> -> memref<128x64xf32, #tpu.memory_space<hbm>>
        %dma_wait3A_44 = arith.constant 0 : i32
        %dma_wait3A_45 = tpu.memref_slice %arg5[%add3A_37, %dma_wait3A_44] : memref<819200x64xf32, #tpu.memory_space<hbm>> -> memref<128x64xf32, #tpu.memory_space<hbm>>
        tpu.wait_dma2 semaphore(%run_scoped3A : memref<!tpu.dma_semaphore, #tpu.memory_space<semaphore_mem>>) src(%arg9 : memref<128x64xf32, #tpu.memory_space<vmem>>) dst(%dma_wait3A_45 : memref<128x64xf32, #tpu.memory_space<hbm>>)
        tpu.yield
      }) : () -> ()
    }
    %scan3A_6 = arith.constant 200 : i32
    %scan3A_7 = arith.constant 0 : i32
    %scan3A_8 = arith.constant 200 : i32
    %scan3A_9 = arith.addi %scan3A_7, %scan3A_8 : i32
    %scan3A_10 = arith.constant 1 : i32
    scf.for %scan3A_12 = %scan3A_7 to %scan3A_9 step %scan3A_10  : i32 {
      %mul3A_13 = arith.constant 1 : i32
      %mul3A_14 = arith.muli %scan3A_12, %mul3A_13 : i32
      %add3A_15 = arith.constant 0 : i32
      %add3A_16 = arith.addi %add3A_15, %mul3A_14 : i32
      %get3A = arith.index_cast %add3A_16 : i32 to index
      %get3A_17 = arith.constant 0 : index
      %get3A_18 = tpu.vector_load %arg7[%get3A, %get3A_17] {strides = array<i32>} : memref<200x128xi32, #tpu.memory_space<vmem>>, vector<1x16xi32>,
      %get3A_19 = vector.shape_cast %get3A_18 : vector<1x16xi32> to vector<16xi32>
      %eq3A = arith.constant 0 : i32
      %eq3A_20 = vector.broadcast %eq3A : i32 to vector<16xi32>
      %eq3A_21 = arith.cmpi eq, %get3A_19, %eq3A_20 : vector<16xi32>
      %jit3A = arith.constant 0.000000e+00 : f32
      %jit3A_22 = arith.constant 1.000000e+00 : f32
      %broadcast_in_dim3A = vector.broadcast %jit3A : f32 to vector<16xf32>
      %broadcast_in_dim3A_23 = vector.broadcast %jit3A_22 : f32 to vector<16xf32>
      %select_n3A = arith.select %eq3A_21, %broadcast_in_dim3A, %broadcast_in_dim3A_23 : vector<16xi1>, vector<16xf32>
      %mul3A_24 = arith.constant 128 : i32
      %mul3A_25 = arith.muli %add3A_16, %mul3A_24 : i32
      %add3A_26 = arith.constant 0 : i32
      %add3A_27 = arith.addi %mul3A_25, %add3A_26 : i32
      %swap3A = arith.index_cast %add3A_27 : i32 to index
      %swap3A_28 = tpu.vector_load %arg10[%swap3A] {strides = array<i32>} : memref<25600xf32, #tpu.memory_space<vmem>>, vector<16xf32>,
      %swap3A_29 = vector.shape_cast %swap3A_28 : vector<16xf32> to vector<16xf32>
      %swap3A_30 = vector.shape_cast %select_n3A : vector<16xf32> to vector<16xf32>
      tpu.vector_store %arg10[%swap3A], %swap3A_30 {strides = array<i32>} : memref<25600xf32, #tpu.memory_space<vmem>>, vector<16xf32>,
      %get3A_31 = arith.index_cast %add3A_16 : i32 to index
      %get3A_32 = arith.constant 16 : index
      %get3A_33 = tpu.vector_load %arg7[%get3A_31, %get3A_32] {strides = array<i32>} : memref<200x128xi32, #tpu.memory_space<vmem>>, vector<1x16xi32>,
      %get3A_34 = vector.shape_cast %get3A_33 : vector<1x16xi32> to vector<16xi32>
      %eq3A_35 = arith.constant 0 : i32
      %eq3A_36 = vector.broadcast %eq3A_35 : i32 to vector<16xi32>
      %eq3A_37 = arith.cmpi eq, %get3A_34, %eq3A_36 : vector<16xi32>
      %jit3A_38 = arith.constant 0.000000e+00 : f32
      %jit3A_39 = arith.constant 1.000000e+00 : f32
      %broadcast_in_dim3A_40 = vector.broadcast %jit3A_38 : f32 to vector<16xf32>
      %broadcast_in_dim3A_41 = vector.broadcast %jit3A_39 : f32 to vector<16xf32>
      %select_n3A_42 = arith.select %eq3A_37, %broadcast_in_dim3A_40, %broadcast_in_dim3A_41 : vector<16xi1>, vector<16xf32>
      %mul3A_43 = arith.constant 128 : i32
      %mul3A_44 = arith.muli %add3A_16, %mul3A_43 : i32
      %add3A_45 = arith.constant 16 : i32
      %add3A_46 = arith.addi %mul3A_44, %add3A_45 : i32
      %swap3A_47 = arith.index_cast %add3A_46 : i32 to index
      %swap3A_48 = tpu.vector_load %arg10[%swap3A_47] {strides = array<i32>} : memref<25600xf32, #tpu.memory_space<vmem>>, vector<16xf32>,
      %swap3A_49 = vector.shape_cast %swap3A_48 : vector<16xf32> to vector<16xf32>
      %swap3A_50 = vector.shape_cast %select_n3A_42 : vector<16xf32> to vector<16xf32>
      tpu.vector_store %arg10[%swap3A_47], %swap3A_50 {strides = array<i32>} : memref<25600xf32, #tpu.memory_space<vmem>>, vector<16xf32>,
      %get3A_51 = arith.index_cast %add3A_16 : i32 to index
      %get3A_52 = arith.constant 32 : index
      %get3A_53 = tpu.vector_load %arg7[%get3A_51, %get3A_52] {strides = array<i32>} : memref<200x128xi32, #tpu.memory_space<vmem>>, vector<1x16xi32>,
      %get3A_54 = vector.shape_cast %get3A_53 : vector<1x16xi32> to vector<16xi32>
      %eq3A_55 = arith.constant 0 : i32
      %eq3A_56 = vector.broadcast %eq3A_55 : i32 to vector<16xi32>
      %eq3A_57 = arith.cmpi eq, %get3A_54, %eq3A_56 : vector<16xi32>
      %jit3A_58 = arith.constant 0.000000e+00 : f32
      %jit3A_59 = arith.constant 1.000000e+00 : f32
      %broadcast_in_dim3A_60 = vector.broadcast %jit3A_58 : f32 to vector<16xf32>
      %broadcast_in_dim3A_61 = vector.broadcast %jit3A_59 : f32 to vector<16xf32>
      %select_n3A_62 = arith.select %eq3A_57, %broadcast_in_dim3A_60, %broadcast_in_dim3A_61 : vector<16xi1>, vector<16xf32>
      %mul3A_63 = arith.constant 128 : i32
      %mul3A_64 = arith.muli %add3A_16, %mul3A_63 : i32
      %add3A_65 = arith.constant 32 : i32
      %add3A_66 = arith.addi %mul3A_64, %add3A_65 : i32
      %swap3A_67 = arith.index_cast %add3A_66 : i32 to index
      %swap3A_68 = tpu.vector_load %arg10[%swap3A_67] {strides = array<i32>} : memref<25600xf32, #tpu.memory_space<vmem>>, vector<16xf32>,
      %swap3A_69 = vector.shape_cast %swap3A_68 : vector<16xf32> to vector<16xf32>
      %swap3A_70 = vector.shape_cast %select_n3A_62 : vector<16xf32> to vector<16xf32>
      tpu.vector_store %arg10[%swap3A_67], %swap3A_70 {strides = array<i32>} : memref<25600xf32, #tpu.memory_space<vmem>>, vector<16xf32>,
      %get3A_71 = arith.index_cast %add3A_16 : i32 to index
      %get3A_72 = arith.constant 48 : index
      %get3A_73 = tpu.vector_load %arg7[%get3A_71, %get3A_72] {strides = array<i32>} : memref<200x128xi32, #tpu.memory_space<vmem>>, vector<1x16xi32>,
      %get3A_74 = vector.shape_cast %get3A_73 : vector<1x16xi32> to vector<16xi32>
      %eq3A_75 = arith.constant 0 : i32
      %eq3A_76 = vector.broadcast %eq3A_75 : i32 to vector<16xi32>
      %eq3A_77 = arith.cmpi eq, %get3A_74, %eq3A_76 : vector<16xi32>
      %jit3A_78 = arith.constant 0.000000e+00 : f32
      %jit3A_79 = arith.constant 1.000000e+00 : f32
      %broadcast_in_dim3A_80 = vector.broadcast %jit3A_78 : f32 to vector<16xf32>
      %broadcast_in_dim3A_81 = vector.broadcast %jit3A_79 : f32 to vector<16xf32>
      %select_n3A_82 = arith.select %eq3A_77, %broadcast_in_dim3A_80, %broadcast_in_dim3A_81 : vector<16xi1>, vector<16xf32>
      %mul3A_83 = arith.constant 128 : i32
      %mul3A_84 = arith.muli %add3A_16, %mul3A_83 : i32
      %add3A_85 = arith.constant 48 : i32
      %add3A_86 = arith.addi %mul3A_84, %add3A_85 : i32
      %swap3A_87 = arith.index_cast %add3A_86 : i32 to index
      %swap3A_88 = tpu.vector_load %arg10[%swap3A_87] {strides = array<i32>} : memref<25600xf32, #tpu.memory_space<vmem>>, vector<16xf32>,
      %swap3A_89 = vector.shape_cast %swap3A_88 : vector<16xf32> to vector<16xf32>
      %swap3A_90 = vector.shape_cast %select_n3A_82 : vector<16xf32> to vector<16xf32>
      tpu.vector_store %arg10[%swap3A_87], %swap3A_90 {strides = array<i32>} : memref<25600xf32, #tpu.memory_space<vmem>>, vector<16xf32>,
      %get3A_91 = arith.index_cast %add3A_16 : i32 to index
      %get3A_92 = arith.constant 64 : index
      %get3A_93 = tpu.vector_load %arg7[%get3A_91, %get3A_92] {strides = array<i32>} : memref<200x128xi32, #tpu.memory_space<vmem>>, vector<1x16xi32>,
      %get3A_94 = vector.shape_cast %get3A_93 : vector<1x16xi32> to vector<16xi32>
      %eq3A_95 = arith.constant 0 : i32
      %eq3A_96 = vector.broadcast %eq3A_95 : i32 to vector<16xi32>
      %eq3A_97 = arith.cmpi eq, %get3A_94, %eq3A_96 : vector<16xi32>
      %jit3A_98 = arith.constant 0.000000e+00 : f32
      %jit3A_99 = arith.constant 1.000000e+00 : f32
      %broadcast_in_dim3A_100 = vector.broadcast %jit3A_98 : f32 to vector<16xf32>
      %broadcast_in_dim3A_101 = vector.broadcast %jit3A_99 : f32 to vector<16xf32>
      %select_n3A_102 = arith.select %eq3A_97, %broadcast_in_dim3A_100, %broadcast_in_dim3A_101 : vector<16xi1>, vector<16xf32>
      %mul3A_103 = arith.constant 128 : i32
      %mul3A_104 = arith.muli %add3A_16, %mul3A_103 : i32
      %add3A_105 = arith.constant 64 : i32
      %add3A_106 = arith.addi %mul3A_104, %add3A_105 : i32
      %swap3A_107 = arith.index_cast %add3A_106 : i32 to index
      %swap3A_108 = tpu.vector_load %arg10[%swap3A_107] {strides = array<i32>} : memref<25600xf32, #tpu.memory_space<vmem>>, vector<16xf32>,
      %swap3A_109 = vector.shape_cast %swap3A_108 : vector<16xf32> to vector<16xf32>
      %swap3A_110 = vector.shape_cast %select_n3A_102 : vector<16xf32> to vector<16xf32>
      tpu.vector_store %arg10[%swap3A_107], %swap3A_110 {strides = array<i32>} : memref<25600xf32, #tpu.memory_space<vmem>>, vector<16xf32>,
      %get3A_111 = arith.index_cast %add3A_16 : i32 to index
      %get3A_112 = arith.constant 80 : index
      %get3A_113 = tpu.vector_load %arg7[%get3A_111, %get3A_112] {strides = array<i32>} : memref<200x128xi32, #tpu.memory_space<vmem>>, vector<1x16xi32>,
      %get3A_114 = vector.shape_cast %get3A_113 : vector<1x16xi32> to vector<16xi32>
      %eq3A_115 = arith.constant 0 : i32
      %eq3A_116 = vector.broadcast %eq3A_115 : i32 to vector<16xi32>
      %eq3A_117 = arith.cmpi eq, %get3A_114, %eq3A_116 : vector<16xi32>
      %jit3A_118 = arith.constant 0.000000e+00 : f32
      %jit3A_119 = arith.constant 1.000000e+00 : f32
      %broadcast_in_dim3A_120 = vector.broadcast %jit3A_118 : f32 to vector<16xf32>
      %broadcast_in_dim3A_121 = vector.broadcast %jit3A_119 : f32 to vector<16xf32>
      %select_n3A_122 = arith.select %eq3A_117, %broadcast_in_dim3A_120, %broadcast_in_dim3A_121 : vector<16xi1>, vector<16xf32>
      %mul3A_123 = arith.constant 128 : i32
      %mul3A_124 = arith.muli %add3A_16, %mul3A_123 : i32
      %add3A_125 = arith.constant 80 : i32
      %add3A_126 = arith.addi %mul3A_124, %add3A_125 : i32
      %swap3A_127 = arith.index_cast %add3A_126 : i32 to index
      %swap3A_128 = tpu.vector_load %arg10[%swap3A_127] {strides = array<i32>} : memref<25600xf32, #tpu.memory_space<vmem>>, vector<16xf32>,
      %swap3A_129 = vector.shape_cast %swap3A_128 : vector<16xf32> to vector<16xf32>
      %swap3A_130 = vector.shape_cast %select_n3A_122 : vector<16xf32> to vector<16xf32>
      tpu.vector_store %arg10[%swap3A_127], %swap3A_130 {strides = array<i32>} : memref<25600xf32, #tpu.memory_space<vmem>>, vector<16xf32>,
      %get3A_131 = arith.index_cast %add3A_16 : i32 to index
      %get3A_132 = arith.constant 96 : index
      %get3A_133 = tpu.vector_load %arg7[%get3A_131, %get3A_132] {strides = array<i32>} : memref<200x128xi32, #tpu.memory_space<vmem>>, vector<1x16xi32>,
      %get3A_134 = vector.shape_cast %get3A_133 : vector<1x16xi32> to vector<16xi32>
      %eq3A_135 = arith.constant 0 : i32
      %eq3A_136 = vector.broadcast %eq3A_135 : i32 to vector<16xi32>
      %eq3A_137 = arith.cmpi eq, %get3A_134, %eq3A_136 : vector<16xi32>
      %jit3A_138 = arith.constant 0.000000e+00 : f32
      %jit3A_139 = arith.constant 1.000000e+00 : f32
      %broadcast_in_dim3A_140 = vector.broadcast %jit3A_138 : f32 to vector<16xf32>
      %broadcast_in_dim3A_141 = vector.broadcast %jit3A_139 : f32 to vector<16xf32>
      %select_n3A_142 = arith.select %eq3A_137, %broadcast_in_dim3A_140, %broadcast_in_dim3A_141 : vector<16xi1>, vector<16xf32>
      %mul3A_143 = arith.constant 128 : i32
      %mul3A_144 = arith.muli %add3A_16, %mul3A_143 : i32
      %add3A_145 = arith.constant 96 : i32
      %add3A_146 = arith.addi %mul3A_144, %add3A_145 : i32
      %swap3A_147 = arith.index_cast %add3A_146 : i32 to index
      %swap3A_148 = tpu.vector_load %arg10[%swap3A_147] {strides = array<i32>} : memref<25600xf32, #tpu.memory_space<vmem>>, vector<16xf32>,
      %swap3A_149 = vector.shape_cast %swap3A_148 : vector<16xf32> to vector<16xf32>
      %swap3A_150 = vector.shape_cast %select_n3A_142 : vector<16xf32> to vector<16xf32>
      tpu.vector_store %arg10[%swap3A_147], %swap3A_150 {strides = array<i32>} : memref<25600xf32, #tpu.memory_space<vmem>>, vector<16xf32>,
      %get3A_151 = arith.index_cast %add3A_16 : i32 to index
      %get3A_152 = arith.constant 112 : index
      %get3A_153 = tpu.vector_load %arg7[%get3A_151, %get3A_152] {strides = array<i32>} : memref<200x128xi32, #tpu.memory_space<vmem>>, vector<1x16xi32>,
      %get3A_154 = vector.shape_cast %get3A_153 : vector<1x16xi32> to vector<16xi32>
      %eq3A_155 = arith.constant 0 : i32
      %eq3A_156 = vector.broadcast %eq3A_155 : i32 to vector<16xi32>
      %eq3A_157 = arith.cmpi eq, %get3A_154, %eq3A_156 : vector<16xi32>
      %jit3A_158 = arith.constant 0.000000e+00 : f32
      %jit3A_159 = arith.constant 1.000000e+00 : f32
      %broadcast_in_dim3A_160 = vector.broadcast %jit3A_158 : f32 to vector<16xf32>
      %broadcast_in_dim3A_161 = vector.broadcast %jit3A_159 : f32 to vector<16xf32>
      %select_n3A_162 = arith.select %eq3A_157, %broadcast_in_dim3A_160, %broadcast_in_dim3A_161 : vector<16xi1>, vector<16xf32>
      %mul3A_163 = arith.constant 128 : i32
      %mul3A_164 = arith.muli %add3A_16, %mul3A_163 : i32
      %add3A_165 = arith.constant 112 : i32
      %add3A_166 = arith.addi %mul3A_164, %add3A_165 : i32
      %swap3A_167 = arith.index_cast %add3A_166 : i32 to index
      %swap3A_168 = tpu.vector_load %arg10[%swap3A_167] {strides = array<i32>} : memref<25600xf32, #tpu.memory_space<vmem>>, vector<16xf32>,
      %swap3A_169 = vector.shape_cast %swap3A_168 : vector<16xf32> to vector<16xf32>
      %swap3A_170 = vector.shape_cast %select_n3A_162 : vector<16xf32> to vector<16xf32>
      tpu.vector_store %arg10[%swap3A_167], %swap3A_170 {strides = array<i32>} : memref<25600xf32, #tpu.memory_space<vmem>>, vector<16xf32>,
    }
    %scan3A_11 = arith.constant 200 : i32
    "tpu.region"() ({
      %run_scoped3A = tpu.sem_alloc : memref<!tpu.dma_semaphore, #tpu.memory_space<semaphore_mem>>
      %dma_start3A = arith.constant 0 : i32
      %dma_start3A_12 = tpu.memref_slice %arg6[%add3A, %dma_start3A] : memref<32x25600xf32, #tpu.memory_space<hbm>> -> memref<1x25600xf32, #tpu.memory_space<hbm>>
      %dma_start3A_13 = tpu.memref_squeeze %dma_start3A_12 : memref<1x25600xf32, #tpu.memory_space<hbm>> -> memref<25600xf32, #tpu.memory_space<hbm>>
      %dma_start3A_14 = arith.constant 0 : i32
      %dma_start3A_15 = tpu.memref_slice %arg6[%add3A, %dma_start3A_14] : memref<32x25600xf32, #tpu.memory_space<hbm>> -> memref<1x25600xf32, #tpu.memory_space<hbm>>
      %dma_start3A_16 = tpu.memref_squeeze %dma_start3A_15 : memref<1x25600xf32, #tpu.memory_space<hbm>> -> memref<25600xf32, #tpu.memory_space<hbm>>
      tpu.enqueue_dma source(%arg10 : memref<25600xf32, #tpu.memory_space<vmem>>) target(%dma_start3A_16 : memref<25600xf32, #tpu.memory_space<hbm>>) target_semaphore(%run_scoped3A : memref<!tpu.dma_semaphore, #tpu.memory_space<semaphore_mem>>)
      %dma_wait3A = arith.constant 0 : i32
      %dma_wait3A_17 = tpu.memref_slice %arg6[%add3A, %dma_wait3A] : memref<32x25600xf32, #tpu.memory_space<hbm>> -> memref<1x25600xf32, #tpu.memory_space<hbm>>
      %dma_wait3A_18 = tpu.memref_squeeze %dma_wait3A_17 : memref<1x25600xf32, #tpu.memory_space<hbm>> -> memref<25600xf32, #tpu.memory_space<hbm>>
      %dma_wait3A_19 = arith.constant 0 : i32
      %dma_wait3A_20 = tpu.memref_slice %arg6[%add3A, %dma_wait3A_19] : memref<32x25600xf32, #tpu.memory_space<hbm>> -> memref<1x25600xf32, #tpu.memory_space<hbm>>
      %dma_wait3A_21 = tpu.memref_squeeze %dma_wait3A_20 : memref<1x25600xf32, #tpu.memory_space<hbm>> -> memref<25600xf32, #tpu.memory_space<hbm>>
      tpu.wait_dma2 semaphore(%run_scoped3A : memref<!tpu.dma_semaphore, #tpu.memory_space<semaphore_mem>>) src(%arg10 : memref<25600xf32, #tpu.memory_space<vmem>>) dst(%dma_wait3A_21 : memref<25600xf32, #tpu.memory_space<hbm>>)
      tpu.yield
    }) : () -> ()
    return
  }
}

</mosaic_0001>

<sc_bundles>
// kernel: _encode.3.cloned.1.call-start
scs
__scs_entry_jumppad:
0x0: {  	(pc) =	sbr.rel $0x88, $3  }
0x1: {  	(tag) =	ssettag $0x0;
	lr =	simm.s32 $0x1  }
0x2: {  	[smem:$0x3F9E] =	sst lr;
	_ =	strace $0xD0000000  }
0x3: {  	_ = 	snop  }
0x4: {  	_ = 	snop  }
0x5: {  	_ = 	snop  }
0x6: {  	_ = 	snop  }
0x7: {  	_ = 	snop  }
__scs_overlays_trampoline_lowered:
0x8: {  	[smem:$0x3FAD] =	sst s0  }
0x9: {  	[smem:$0x3FAE] =	sst s1  }
0xa: {  	[smem:$0x3FAF] =	sst s2  }
0xb: {  	[smem:$0x3FB0] =	sst s3  }
0xc: {  	[smem:$0x3FB1] =	sst s4  }
0xd: {  	[smem:$0x3FB2] =	sst s5  }
0xe: {  	[smem:$0x3FB3] =	sst s6  }
0xf: {  	[smem:$0x3FB4] =	sst s7  }
0x10: {  	[smem:$0x3FB5] =	sst s8  }
0x11: {  	[smem:$0x3FB6] =	sst s9;
	s0 =	simm.s32 @!p0 $0x0  }
0x12: {  	s1 =	sld [smem:$0x3F9C];
	s0 =	simm.s32 @p0 $0x1  }
0x13: {  	[smem:$0x3FB7] =	sst s0;
	s0 =	simm.s32 @!p1 $0x0  }
0x14: {  	s2 =	sld [smem:$0x3F9B];
	s0 =	simm.s32 @p1 $0x1  }
0x15: {  	[smem:$0x3FB8] =	sst s0;
	s0 =	simm.s32 @!p2 $0x0  }
0x16: {  	s3 =	sld [smem:$0x3FDB];
	s0 =	simm.s32 @p2 $0x1  }
0x17: {  	s4 =	simm.s32 $0x1BF5;
	[smem:$0x3FBA] =	sst s0  }
0x18: {  	s0 =	sld [smem:$0x3F9D];
	_ =	swait.ge [sflag:s4], $0x0  }
0x19: {  	s7 =	sld [smem:$0x3F9E]  }
0x1a: {  	s8 =	sadd.s32 $0xFFFFE003, lr  }
0x1b: {  	s9 =	sadd.s32 $0xFFFFFEF7, lr;
	s5 =	simm.s32 $0xFFFFFFFF;
	p2 =	slt.u32 s8, $0xFFFFF086  }
0x1c: {  	p1 =	slt.u32 s9, $0xF7A;
	s5 =	simm.s32 @!p2 $0x0  }
0x1d: {  	s5 =	simm.s32 @p1 $0x1;
	p0 =	seq.s32 s7, s2  }
0x1e: {  	s7 =	smul.u32 @!p0 $0xF7A, s2;
	p2 =	seq.s32 @!p0 s5, $0x0  }
0x1f: {  	s9 =	smul.u32 $0xF7A, s1;
	s8 =	simm.s32 @!p0 $0x1BF5;
	p2 =	por !p2, p0  }
0x20: {  	[sflag:s8] =	ssyncset.s32 @!p0 $0xFFFFF086;
	s6 =	sadd.s32 @!p0 s3, s7;
	s7 =	simm.s32 @!p0 $0x108  }
0x21: {  	s3 =	sadd.s32 s3, s9;
	s6 =	sadd.s32 @!p0 $0x88, s6;
	s7 =	simm.s32 @p2 $0x1082  }
0x22: {  	[simem:s7], [sflag:s8] =	dma.local @!p0 [hbm:s6], $0xF7A  }
0x23: {  	s9 =	sor.u32 $0xD0000000, s2;
	s6 =	simm.s32 $0x108;
	_ =	swait.ge @!p0 [sflag:s8], $0x0  }
0x24: {  	s3 =	sadd.s32 $0x88, s3;
	s6 =	simm.s32 @!p1 $0x1082;
	[sflag:s4] =	ssyncset.s32 $0xFFFFF086  }
0x25: {  	[simem:s6], [sflag:s4] =	dma.local [hbm:s3], $0xF7A  }
0x26: {  	[smem:$0x3F9E] =	sst s1;
	(tag) =	ssettag s2;
	_ =	strace s9  }
0x27: {  	s1 =	sld [smem:$0x3FAE]  }
0x28: {  	s2 =	sld [smem:$0x3FAF]  }
0x29: {  	s4 =	sld [smem:$0x3FB1]  }
0x2a: {  	p0 =	seq.s32 s5, $0x0;
	s5 =	sld [smem:$0x3FB2]  }
0x2b: {  	s6 =	sld [smem:$0x3FB3]  }
0x2c: {  	s7 =	sld [smem:$0x3FB4]  }
0x2d: {  	s3 =	simm.s32 $0x108;
	s8 =	sld [smem:$0x3FB5]  }
0x2e: {  	s3 =	simm.s32 @!p0 $0x1082;
	s9 =	sld [smem:$0x3FB6]  }
0x2f: {  	lr =	sadd.s32 s0, s3;
	s0 =	sld [smem:$0x3FAD]  }
0x30: {  	s3 =	sld [smem:$0x3FB0]  }
0x31: {  	[smem:$0x3FB9] =	sst s10  }
0x32: {  	s10 =	sld [smem:$0x3FB7];
	_ =	sdelay $0x3  }
0x33: {  	p0 =	seq.s32 s10, $0x1;
	s10 =	sld [smem:$0x3FB9];
	_ =	sdelay $0x3  }
0x34: {  	[smem:$0x3FB9] =	sst s10  }
0x35: {  	s10 =	sld [smem:$0x3FB8];
	_ =	sdelay $0x3  }
0x36: {  	p1 =	seq.s32 s10, $0x1;
	s10 =	sld [smem:$0x3FB9];
	_ =	sdelay $0x3  }
0x37: {  	[smem:$0x3FB9] =	sst s10  }
0x38: {  	s10 =	sld [smem:$0x3FBA]  }
0x39: {  	_ = 	snop;
	(pc) =	sbr.ind lr, $3  }
0x3a: {  	_ = 	snop  }
0x3b: {  	_ = 	snop  }
0x3c: {  	p2 =	seq.s32 s10, $0x1;
	s10 =	sld [smem:$0x3FB9]  }
0x3d: {  	_ =	shalt  }
0x3e: {  	_ =	shalt  }
0x3f: {  	_ =	shalt  }
0x40: {  	_ =	shalt  }
0x41: {  	_ =	shalt  }
0x42: {  	_ =	shalt  }
0x43: {  	_ =	shalt  }
0x44: {  	_ =	shalt  }
0x45: {  	_ =	shalt  }
0x46: {  	_ =	shalt  }
0x47: {  	_ =	shalt  }
0x48: {  	_ =	shalt  }
0x49: {  	_ =	shalt  }
0x4a: {  	_ =	shalt  }
0x4b: {  	_ =	shalt  }
0x4c: {  	_ =	shalt  }
0x4d: {  	_ =	shalt  }
0x4e: {  	_ =	shalt  }
0x4f: {  	_ =	shalt  }
0x50: {  	_ =	shalt  }
0x51: {  	_ =	shalt  }
0x52: {  	_ =	shalt  }
0x53: {  	_ =	shalt  }
0x54: {  	_ =	shalt  }
0x55: {  	_ =	shalt  }
0x56: {  	_ =	shalt  }
0x57: {  	_ =	shalt  }
0x58: {  	_ =	shalt  }
0x59: {  	_ =	shalt  }
0x5a: {  	_ =	shalt  }
0x5b: {  	_ =	shalt  }
0x5c: {  	_ =	shalt  }
0x5d: {  	_ =	shalt  }
0x5e: {  	_ =	shalt  }
0x5f: {  	_ =	shalt  }
0x60: {  	_ =	shalt  }
0x61: {  	_ =	shalt  }
0x62: {  	_ =	shalt  }
0x63: {  	_ =	shalt  }
0x64: {  	_ =	shalt  }
0x65: {  	_ =	shalt  }
0x66: {  	_ =	shalt  }
0x67: {  	_ =	shalt  }
0x68: {  	_ =	shalt  }
0x69: {  	_ =	shalt  }
0x6a: {  	_ =	shalt  }
0x6b: {  	_ =	shalt  }
0x6c: {  	_ =	shalt  }
0x6d: {  	_ =	shalt  }
0x6e: {  	_ =	shalt  }
0x6f: {  	_ =	shalt  }
0x70: {  	_ =	shalt  }
0x71: {  	_ =	shalt  }
0x72: {  	_ =	shalt  }
0x73: {  	_ =	shalt  }
0x74: {  	_ =	shalt  }
0x75: {  	_ =	shalt  }
0x76: {  	_ =	shalt  }
0x77: {  	_ =	shalt  }
0x78: {  	_ =	shalt  }
0x79: {  	_ =	shalt  }
0x7a: {  	_ =	shalt  }
0x7b: {  	_ =	shalt  }
0x7c: {  	_ =	shalt  }
0x7d: {  	_ =	shalt  }
0x7e: {  	_ =	shalt  }
0x7f: {  	_ =	shalt  }
0x80: {  	_ =	shalt  }
0x81: {  	_ =	shalt  }
0x82: {  	_ =	shalt  }
0x83: {  	_ =	shalt  }
0x84: {  	_ =	shalt  }
0x85: {  	_ =	shalt  }
0x86: {  	_ =	shalt  }
0x87: {  	_ =	shalt  }
.Lfunc_end0:
.L_simem_size_0:
called_computation.1_lowered:
.L_overlay_start_0:
0x88: {  	s2 =	sld [smem:$0x3FD9]  }
0x89: {  	s3 =	sld [smem:$0x3FFE];
	_ =	sdelay $0x1  }
0x8a: {  	s1 =	srdreg.scid  }
0x8b: {  	s0 =	sand.u32 $0x1, s1  }
0x8c: {  	s14 =	sshll.u32 s0, $0xA;
	s2 =	sadd.s32 s3, s2  }
0x8d: {  	s2 =	sadd.s32 s2, s14  }
0x8e: {  	[smem:$0x3FC5] =	sst s2  }
0x8f: {  	_ = 	snop  }
0x90: {  	s2 =	sld [smem:$0x3FD0];
	_ =	sdelay $0x2  }
0x91: {  	s4 =	simm.s32 $0xA;
	s5 =	simm.s32 $0x10;
	s15 =	sld [smem:$0x3FC9]  }
0x92: {  	[smem:s5], [sflag:s4] =	dma.local [hbm:s2], $0x1  }
0x93: {  	_ =	swait.eq [sflag:s4], $0x1  }
0x94: {  	[sflag:s4] =	ssyncset.done $0x0  }
0x95: {  	s16 =	sld [smem:$0x10];
	[sflag:s4] =	ssyncadd.s32 $0xFFFFFFFF  }
0x96: {  	s17 =	sld [smem:$0x11];
	(tm) =	ssettm $0x1  }
0x97: {  	s18 =	sld [smem:$0x3FFB];
	_ =	sdelay $0x3  }
0x98: {  	_ =	strace s18  }
0x99: {  	s5 =	sld [smem:$0x3FFC];
	_ =	sdelay $0x3  }
0x9a: {  	_ =	strace s5  }
0x9b: {  	s5 =	sld [smem:$0x3FFD];
	_ =	sdelay $0x3  }
0x9c: {  	_ =	strace s5  }
0x9d: {  	_ =	strace $0x8FFFFFFF  }
0x9e: {  	s19 =	sld [smem:$0x3FDB];
	_ =	sdelay $0x1  }
0x9f: {  	s6 =	simm.s32 $_scs_section_size  }
0xa0: {  	s7 =	simm.s32 $_size__tile_overlayer_lowered;
	s8 =	simm.s32 $_tile_overlayer_lowered  }
0xa1: {  	s22 =	simm.s32 $0x1BFF;
	s21 =	sshll.u32 s8, $0x1;
	s5 =	sadd.s32 s6, s19  }
0xa2: {  	s9 =	simm.s32 $0x0;
	s20 =	sshll.u32 s7, $0x1;
	s7 =	sadd.s32 s21, s5  }
0xa3: {  	[timem:s9], [sflag:s22] =	dma.local [hbm:s7], s20  }
0xa4: {  	_ =	swait.ge [sflag:s22], s20  }
0xa5: {  	s6 =	ssub.s32 $0x0, s20;
	[sflag:s22] =	ssyncset.done $0x0  }
0xa6: {  	[sflag:s22] =	ssyncadd.s32 s6;
	_ =	sdelay $0x1  }
0xa7: {  	s23 =	simm.s32 $0x1B8B  }
0xa8: {  	_ =	swait.ge [sflag:s23], $0x1  }
0xa9: {  	[sflag:s23] =	ssyncset.done $0x0  }
0xaa: {  	s25 =	simm.s32 $0x1B8E;
	s24 =	sld [smem:$0x3FFE];
	[sflag:s23] =	ssyncadd.s32 $0xFFFFFFFF  }
0xab: {  	s26 =	simm.s32 $execute0_lowered;
	[smem:$0x3FD2] =	sst s25  }
0xac: {  	s7 =	sshll.u32 s26, $0x1;
	_ =	strace $0x80000046;
	[dreg:$0x1] =	wrdreg $0xFFFFFFFF  }
0xad: {  	s28 =	simm.s32 $_size_execute0_lowered;
	s5 =	sadd.s32 s5, s7;
	[dreg:$0x0] =	wrdreg $0x0  }
0xae: {  	s7 =	sshll.u32 s28, $0x1;
	[dreg:$0x2] =	wrdreg s5  }
0xaf: {  	[dreg:$0x3] =	wrdreg s7  }
0xb0: {  	[dreg:$0x4] =	wrdreg $0xC0  }
0xb1: {  	_ =	task [dreg:s9], $0x5FFFF  }
0xb2: {  	[dreg:$0x1] =	wrdreg $0xFFFFFFFF  }
0xb3: {  	[dreg:$0x0] =	wrdreg $0x60  }
0xb4: {  	[dreg:$0x2] =	wrdreg s15  }
0xb5: {  	[dreg:$0x3] =	wrdreg s24  }
0xb6: {  	[dreg:$0x4] =	wrdreg s16  }
0xb7: {  	[dreg:$0x5] =	wrdreg s17  }
0xb8: {  	[dreg:$0x6] =	wrdreg $0x9  }
0xb9: {  	_ =	task.clear_ibuf [dreg:s9], $0x7FFFF;
	_ =	strace $0x90000046  }
0xba: {  	s29 =	simm.s32 $0x9;
	_ =	strace $0x80000048  }
0xbb: {  	_ =	swait.ge [sflag:s29], $0x1  }
0xbc: {  	[sflag:s29] =	ssyncadd.s32 $0xFFFFFFFF  }
0xbd: {  	_ =	strace $0x90000048  }
0xbe: {  	_ =	sfence  }
0xbf: {  	s30 =	sld [smem:$0x0];
	_ =	sdelay $0x2  }
0xc0: {  	s31 =	sshll.u32 s1, $0xD;
	s1 =	sshrl.u32 s1, $0x2  }
0xc1: {  	s3 =	sand.u32 $0x4000, s31;
	s1 =	sadd.s32 s1, s30  }
0xc2: {  	s0 =	sor.u32 s3, s0;
	s1 =	sshll.u32 s1, $0x11  }
0xc3: {  	s0 =	sor.u32 s1, s0  }
0xc4: {  	s0 =	sadd.s32 $0x8F2B, s0  }
0xc5: {  	[sflag:s0] =	ssyncadd.remote.s32 $0x1  }
0xc6: {  	_ =	sfence.sel $0xFFFF  }
0xc7: {  	[dreg:$0x0] =	wrdreg $0xFFFFFFFF;
	(pc) =	sbr.abs _section_cstart, $3  }
0xc8: {  	[dreg:$0x1] =	wrdreg $0xFFFFFFFF  }
0xc9: {  	_ =	task.clear_ibuf [dreg:s9], $0x2FFFF;
	_ =	strace $0x9FFFFFFF  }
0xca: {  	(tm) =	ssettm $0x7FFFFFFF  }
0xcb: {  	_ =	shalt  }
tec
execute0_lowered:
.L_overlay_start_1:
0x0: {  	(tag) =	ssettag $0x1  }
0x1: {  	s7 =	rddreg [dreg:$0x0]  }
0x2: {  	s6 =	rddreg [dreg:$0x1]  }
0x3: {  	s2 =	rddreg [dreg:$0x2]  }
0x4: {  	s1 =	srdreg.scid;
	s0 =	stileid.u32  }
0x5: {  	s8 =	rddreg [dreg:$0x3];
	s3 =	simm.s32 $0x0;
	s11 =	simm.s32 $0x80  }
0x6: {  	s12 =	simm.s32 $0xC800;
	s13 =	simm.s32 $0x1;
	s14 =	simm.s32 $0xE800  }
0x7: {  	s4 =	sand.u32 $0x1, s1;
	s5 =	sshll.u32 s0, $0x1;
	s1 =	rddreg [dreg:$0x4]  }
0x8: {  	s15 =	simm.s32 $0x0;
	[smem:$0x7FF] =	sst s3;
	s5 =	sor.u32 s4, s5  }
0x9: {  	s9 =	ssub.s32 $0x2, s4;
	_ =	strace $0x80000047;
	s4 =	smul.u32 $0x6400, s5  }
0xa: {  	s5 =	sadd.s32 $0x1C00, s6;
	s10 =	sshrl.u32 s9, $0x1;
	s6 =	sadd.s32 $0xE00, s6  }
0xb: {  	s9 =	ssub.s32 s9, s10;
	s10 =	simm.s32 $0x2;
	s31 =	sshrl.u32 s4, $0x3  }
0xc: {  	v0 =	vimm.f32 $1.000000000e+00;
	s9 =	smax.u32 s9, $0x1;
	s7 =	sadd.s32 s7, s31;
	s8 =	sadd.s32 s8, s31  }
.LBB2_1:
0xd: {  	[tilespmem:s3], [sflag:$0x2] =	stream.linear.gather [hbm4b:s7+s3], $0x6400, $0x38;
	[tilespmem:$0x14C00] =	vst v63  }
0xe: {  	_ =	swait.ge [sflag:s10], $0x6400  }
0xf: {  	[sflag:s10] =	ssyncset.done $0x0  }
0x10: {  	s16 =	simm.s32 $0x6400;
	[sflag:s10] =	ssyncadd.s32 $0xFFFF9C00  }
0x11: {  	[tilespmem:s16], [sflag:$0x2] =	stream.linear.gather [hbm4b:s6+s3], $0x6400, $0x38;
	[tilespmem:$0x14C00] =	vst v63  }
0x12: {  	_ =	swait.ge [sflag:s10], $0x6400  }
0x13: {  	[sflag:s10] =	ssyncset.done $0x0  }
0x14: {  	s17 =	simm.s32 $0x0;
	s18 =	simm.s32 $0x0;
	[sflag:s10] =	ssyncadd.s32 $0xFFFF9C00  }
.LBB2_2:
0x15: {  	s19 =	smulhi.u32 $0x51EB851F, s17;
	_ =	sdelay $0x1  }
0x16: {  	s19 =	sshrl.u32 s19, $0x6  }
0x17: {  	s19 =	smul.u32 $0xFFFF3800, s19;
	_ =	sdelay $0x1  }
0x18: {  	s19 =	sshra.s32 s19, $0x2  }
0x19: {  	s20 =	sadd.s32 s19, s16  }
0x1a: {  	s19 =	sshll.u32 s18, $0x7;
	v1 =	vmov s20  }
0x1b: {  	[tilespmem:s12], [sflag:$0x1] =	stream.indirect.gather [hbm4b:s5+s11], $0x40, s19, s11, $0xb8;
	[tilespmem:$0x14C00] =	vst v63  }
0x1c: {  	_ =	swait.ge [sflag:s13], $0x2000  }
0x1d: {  	[sflag:s13] =	ssyncset.done $0x0  }
0x1e: {  	s20 =	simm.s32 $0x0;
	[sflag:s13] =	ssyncadd.s32 $0xFFFFE000  }
0x1f: {  	v2 =	vld.idx.msk [tilespmem:v1+s20+$0x0 ss:$0x1], $0xffff;
	_ =	sdelay $0x4  }
0x20: {  	[tilespmem:s20+$0xC800] =	vst.add.f32.msk $0xffff, v2  }
0x21: {  	v2 =	vld.idx.msk [tilespmem:v1+s20+$0x10 ss:$0x1], $0xffff;
	_ =	sdelay $0x4  }
0x22: {  	[tilespmem:s20+$0xC810] =	vst.add.f32.msk $0xffff, v2  }
0x23: {  	v2 =	vld.idx.msk [tilespmem:v1+s20+$0x20 ss:$0x1], $0xffff;
	_ =	sdelay $0x4  }
0x24: {  	[tilespmem:s20+$0xC820] =	vst.add.f32.msk $0xffff, v2  }
0x25: {  	v2 =	vld.idx.msk [tilespmem:v1+s20+$0x30 ss:$0x1], $0xffff;
	_ =	sdelay $0x4  }
0x26: {  	[tilespmem:s20+$0xC830] =	vst.add.f32.msk $0xffff, v2  }
0x27: {  	v2 =	vld.idx.msk [tilespmem:v1+s20+$0x40 ss:$0x1], $0xffff;
	_ =	sdelay $0x4  }
0x28: {  	[tilespmem:s20+$0xC840] =	vst.add.f32.msk $0xffff, v2  }
0x29: {  	v2 =	vld.idx.msk [tilespmem:v1+s20+$0x50 ss:$0x1], $0xffff;
	_ =	sdelay $0x4  }
0x2a: {  	[tilespmem:s20+$0xC850] =	vst.add.f32.msk $0xffff, v2  }
0x2b: {  	v2 =	vld.idx.msk [tilespmem:v1+s20+$0x60 ss:$0x1], $0xffff;
	_ =	sdelay $0x4  }
0x2c: {  	[tilespmem:s20+$0xC860] =	vst.add.f32.msk $0xffff, v2  }
0x2d: {  	v2 =	vld.idx.msk [tilespmem:v1+s20+$0x70 ss:$0x1], $0xffff;
	_ =	sdelay $0x4  }
0x2e: {  	[tilespmem:s20+$0xC870] =	vst.add.f32.msk $0xffff, v2  }
0x2f: {  	v2 =	vld.idx.msk [tilespmem:v1+s20+$0x80 ss:$0x1], $0xffff;
	_ =	sdelay $0x4  }
0x30: {  	[tilespmem:s20+$0xC880] =	vst.add.f32.msk $0xffff, v2  }
0x31: {  	v2 =	vld.idx.msk [tilespmem:v1+s20+$0x90 ss:$0x1], $0xffff;
	_ =	sdelay $0x4  }
0x32: {  	[tilespmem:s20+$0xC890] =	vst.add.f32.msk $0xffff, v2  }
0x33: {  	v2 =	vld.idx.msk [tilespmem:v1+s20+$0xA0 ss:$0x1], $0xffff;
	_ =	sdelay $0x4  }
0x34: {  	[tilespmem:s20+$0xC8A0] =	vst.add.f32.msk $0xffff, v2  }
0x35: {  	v2 =	vld.idx.msk [tilespmem:v1+s20+$0xB0 ss:$0x1], $0xffff;
	_ =	sdelay $0x4  }
0x36: {  	[tilespmem:s20+$0xC8B0] =	vst.add.f32.msk $0xffff, v2  }
0x37: {  	v2 =	vld.idx.msk [tilespmem:v1+s20+$0xC0 ss:$0x1], $0xffff;
	_ =	sdelay $0x4  }
0x38: {  	[tilespmem:s20+$0xC8C0] =	vst.add.f32.msk $0xffff, v2  }
0x39: {  	v2 =	vld.idx.msk [tilespmem:v1+s20+$0xD0 ss:$0x1], $0xffff;
	_ =	sdelay $0x4  }
0x3a: {  	[tilespmem:s20+$0xC8D0] =	vst.add.f32.msk $0xffff, v2  }
0x3b: {  	v2 =	vld.idx.msk [tilespmem:v1+s20+$0xE0 ss:$0x1], $0xffff;
	_ =	sdelay $0x4  }
0x3c: {  	[tilespmem:s20+$0xC8E0] =	vst.add.f32.msk $0xffff, v2  }
0x3d: {  	v2 =	vld.idx.msk [tilespmem:v1+s20+$0xF0 ss:$0x1], $0xffff;
	_ =	sdelay $0x3  }
0x3e: {  	s21 =	simm.s32 $0x0;
	s22 =	simm.s32 $0x400  }
.LBB2_3:
0x3f: {  	s21 =	sadd.s32 $0x4, s21;
	[tilespmem:s20+$0xC8F0] =	vst.add.f32.msk $0xffff, v2;
	s20 =	sshra.s32 s22, $0x2  }
0x40: {  	v2 =	vld.idx.msk [tilespmem:v1+s20+$0x0 ss:$0x1], $0xffff;
	p0 =	slt.u32 s21, $0x7C;
	_ =	sdelay $0x5  }
0x41: {  	[tilespmem:s20+$0xC800] =	vst.add.f32.msk $0xffff, v2  }
0x42: {  	v2 =	vld.idx.msk [tilespmem:v1+s20+$0x10 ss:$0x1], $0xffff;
	_ =	sdelay $0x5  }
0x43: {  	[tilespmem:s20+$0xC810] =	vst.add.f32.msk $0xffff, v2  }
0x44: {  	v2 =	vld.idx.msk [tilespmem:v1+s20+$0x20 ss:$0x1], $0xffff;
	_ =	sdelay $0x5  }
0x45: {  	[tilespmem:s20+$0xC820] =	vst.add.f32.msk $0xffff, v2  }
0x46: {  	v2 =	vld.idx.msk [tilespmem:v1+s20+$0x30 ss:$0x1], $0xffff;
	_ =	sdelay $0x5  }
0x47: {  	[tilespmem:s20+$0xC830] =	vst.add.f32.msk $0xffff, v2  }
0x48: {  	v2 =	vld.idx.msk [tilespmem:v1+s20+$0x40 ss:$0x1], $0xffff;
	_ =	sdelay $0x5  }
0x49: {  	[tilespmem:s20+$0xC840] =	vst.add.f32.msk $0xffff, v2  }
0x4a: {  	v2 =	vld.idx.msk [tilespmem:v1+s20+$0x50 ss:$0x1], $0xffff;
	_ =	sdelay $0x5  }
0x4b: {  	[tilespmem:s20+$0xC850] =	vst.add.f32.msk $0xffff, v2  }
0x4c: {  	v2 =	vld.idx.msk [tilespmem:v1+s20+$0x60 ss:$0x1], $0xffff;
	_ =	sdelay $0x5  }
0x4d: {  	[tilespmem:s20+$0xC860] =	vst.add.f32.msk $0xffff, v2  }
0x4e: {  	v2 =	vld.idx.msk [tilespmem:v1+s20+$0x70 ss:$0x1], $0xffff;
	_ =	sdelay $0x5  }
0x4f: {  	[tilespmem:s20+$0xC870] =	vst.add.f32.msk $0xffff, v2  }
0x50: {  	v2 =	vld.idx.msk [tilespmem:v1+s20+$0x80 ss:$0x1], $0xffff;
	_ =	sdelay $0x5  }
0x51: {  	[tilespmem:s20+$0xC880] =	vst.add.f32.msk $0xffff, v2  }
0x52: {  	v2 =	vld.idx.msk [tilespmem:v1+s20+$0x90 ss:$0x1], $0xffff;
	_ =	sdelay $0x5  }
0x53: {  	[tilespmem:s20+$0xC890] =	vst.add.f32.msk $0xffff, v2  }
0x54: {  	v2 =	vld.idx.msk [tilespmem:v1+s20+$0xA0 ss:$0x1], $0xffff;
	_ =	sdelay $0x5  }
0x55: {  	[tilespmem:s20+$0xC8A0] =	vst.add.f32.msk $0xffff, v2  }
0x56: {  	v2 =	vld.idx.msk [tilespmem:v1+s20+$0xB0 ss:$0x1], $0xffff;
	_ =	sdelay $0x5  }
0x57: {  	[tilespmem:s20+$0xC8B0] =	vst.add.f32.msk $0xffff, v2  }
0x58: {  	v2 =	vld.idx.msk [tilespmem:v1+s20+$0xC0 ss:$0x1], $0xffff;
	_ =	sdelay $0x5  }
0x59: {  	[tilespmem:s20+$0xC8C0] =	vst.add.f32.msk $0xffff, v2  }
0x5a: {  	v2 =	vld.idx.msk [tilespmem:v1+s20+$0xD0 ss:$0x1], $0xffff;
	_ =	sdelay $0x5  }
0x5b: {  	[tilespmem:s20+$0xC8D0] =	vst.add.f32.msk $0xffff, v2  }
0x5c: {  	v2 =	vld.idx.msk [tilespmem:v1+s20+$0xE0 ss:$0x1], $0xffff;
	_ =	sdelay $0x5  }
0x5d: {  	[tilespmem:s20+$0xC8E0] =	vst.add.f32.msk $0xffff, v2  }
0x5e: {  	v2 =	vld.idx.msk [tilespmem:v1+s20+$0xF0 ss:$0x1], $0xffff  }
.Ltmp0:
0x5f: {  	(pc) =	sbr.rel @p0 .LBB2_3-.Ltmp0, $2  }
0x60: {  	_ =	sdelay $0x2  }
0x61: {  	s22 =	sadd.s32 $0x400, s22  }
0x62: {  	s19 =	sadd.s32 s4, s19;
	s18 =	sadd.s32 $0x1, s18  }
0x63: {  	s19 =	sshll.u32 s19, $0x3;
	p0 =	sne.s32 s18, $0xC8  }
.Ltmp1:
0x64: {  	[tilespmem:s20+$0xC8F0] =	vst.add.f32.msk $0xffff, v2;
	s31 =	simm.s32 $0x0;
	s19 =	sadd.s32 s2, s19;
	(pc) =	sbr.rel @p0 .LBB2_2-.Ltmp1, $4  }
0x65: {  	[hbm4b:s19+s31] =	stream.linear.scatter [tilespmem:s12], [sflag:$0x2], $0x2000, $0x38;
	[tilespmem:$0x14C00] =	vst v63  }
0x66: {  	_ =	swait.ge [sflag:s10], $0x2000  }
0x67: {  	[sflag:s10] =	ssyncset.done $0x0  }
0x68: {  	s16 =	sadd.s32 $0x2000, s16;
	s17 =	sadd.s32 $0x80, s17;
	[sflag:s10] =	ssyncadd.s32 $0xFFFFE000  }
0x69: {  	s17 =	simm.s32 $0x0  }
0x6a: {  	v1 =	vld [tilespmem:s17+$0x70]  }
0x6b: {  	v3 =	vld [tilespmem:s17+$0x0]  }
0x6c: {  	v6 =	vld [tilespmem:s17+$0x10]  }
0x6d: {  	v5 =	vld [tilespmem:s17+$0x20]  }
0x6e: {  	v4 =	vld [tilespmem:s17+$0x30]  }
0x6f: {  	v2 =	vld [tilespmem:s17+$0x40];
	vm0 =	veq.s32 v1, $0x0  }
0x70: {  	v1 =	vld [tilespmem:s17+$0x50];
	vm1 =	veq.s32 v3, $0x0;
	v7 =	vsel vm0, $0x0, v0  }
0x71: {  	s16 =	simm.s32 $0x80;
	s18 =	simm.s32 $0x400;
	v3 =	vld [tilespmem:s17+$0x60];
	vm0 =	veq.s32 v6, $0x0;
	v6 =	vsel vm1, $0x0, v0;
	[tilespmem:s17+$0xE870] =	vst v7  }
.LBB2_6:
0x72: {  	p0 =	sne.s32 s18, $0x18E00;
	v7 =	vld [tilespmem:s16+$0x70];
	[tilespmem:s17+$0xE800] =	vst v6;
	v6 =	vsel vm0, $0x0, v0;
	vm0 =	veq.s32 v5, $0x0  }
0x73: {  	v8 =	vld [tilespmem:s16+$0x0];
	[tilespmem:s17+$0xE810] =	vst v6;
	v5 =	vsel vm0, $0x0, v0;
	vm0 =	veq.s32 v4, $0x0  }
0x74: {  	v9 =	vld [tilespmem:s16+$0x10];
	[tilespmem:s17+$0xE820] =	vst v5;
	v4 =	vsel vm0, $0x0, v0;
	vm0 =	veq.s32 v2, $0x0  }
.Ltmp2:
0x75: {  	v5 =	vld [tilespmem:s16+$0x20];
	[tilespmem:s17+$0xE830] =	vst v4;
	v2 =	vsel vm0, $0x0, v0;
	vm0 =	veq.s32 v1, $0x0;
	(pc) =	sbr.rel @p0 .LBB2_6-.Ltmp2, $4  }
0x76: {  	v4 =	vld [tilespmem:s16+$0x30];
	[tilespmem:s17+$0xE840] =	vst v2;
	v1 =	vsel vm0, $0x0, v0;
	vm0 =	veq.s32 v3, $0x0  }
0x77: {  	v2 =	vld [tilespmem:s16+$0x40];
	vm1 =	veq.s32 v7, $0x0;
	[tilespmem:s17+$0xE850] =	vst v1;
	v3 =	vsel vm0, $0x0, v0  }
0x78: {  	vm0 =	veq.s32 v8, $0x0;
	v1 =	vld [tilespmem:s16+$0x50];
	v7 =	vsel vm1, $0x0, v0;
	[tilespmem:s17+$0xE860] =	vst v3;
	s17 =	smov.u32 s16  }
0x79: {  	s16 =	sshra.s32 s18, $0x2;
	s18 =	sadd.s32 $0x200, s18;
	v6 =	vsel vm0, $0x0, v0;
	vm0 =	veq.s32 v9, $0x0;
	v3 =	vld [tilespmem:s17+$0x60];
	[tilespmem:s17+$0xE870] =	vst v7  }
0x7a: {  	v7 =	vld [tilespmem:s16+$0x70];
	[tilespmem:s17+$0xE800] =	vst v6;
	v61 =	vsel vm0, $0x0, v0;
	vm4 =	veq.s32 v5, $0x0  }
0x7b: {  	v8 =	vld [tilespmem:s16+$0x0];
	[tilespmem:s17+$0xE810] =	vst v61;
	v5 =	vsel vm4, $0x0, v0;
	vm5 =	veq.s32 v4, $0x0  }
0x7c: {  	v6 =	vld [tilespmem:s16+$0x10];
	[tilespmem:s17+$0xE820] =	vst v5;
	v4 =	vsel vm5, $0x0, v0;
	vm6 =	veq.s32 v2, $0x0  }
0x7d: {  	v5 =	vld [tilespmem:s16+$0x20];
	[tilespmem:s17+$0xE830] =	vst v4;
	v2 =	vsel vm6, $0x0, v0;
	vm7 =	veq.s32 v1, $0x0  }
0x7e: {  	v4 =	vld [tilespmem:s16+$0x30];
	[tilespmem:s17+$0xE840] =	vst v2;
	v1 =	vsel vm7, $0x0, v0;
	vm8 =	veq.s32 v3, $0x0  }
0x7f: {  	v2 =	vld [tilespmem:s16+$0x40];
	[tilespmem:s17+$0xE850] =	vst v1;
	v1 =	vsel vm8, $0x0, v0;
	vm9 =	veq.s32 v7, $0x0  }
0x80: {  	v3 =	vld [tilespmem:s16+$0x50];
	[tilespmem:s17+$0xE860] =	vst v1;
	vm1 =	veq.s32 v8, $0x0;
	v1 =	vsel vm9, $0x0, v0  }
0x81: {  	v62 =	vld [tilespmem:s16+$0x60];
	vm10 =	veq.s32 v6, $0x0;
	v63 =	vsel vm1, $0x0, v0;
	[tilespmem:s16+$0xE870] =	vst v1  }
0x82: {  	[tilespmem:s16+$0xE800] =	vst v63;
	v1 =	vsel vm10, $0x0, v0;
	vm11 =	veq.s32 v5, $0x0  }
0x83: {  	[tilespmem:s16+$0xE810] =	vst v1;
	v1 =	vsel vm11, $0x0, v0;
	vm12 =	veq.s32 v4, $0x0  }
0x84: {  	[tilespmem:s16+$0xE820] =	vst v1;
	v1 =	vsel vm12, $0x0, v0;
	vm13 =	veq.s32 v2, $0x0  }
0x85: {  	[tilespmem:s16+$0xE830] =	vst v1;
	v1 =	vsel vm13, $0x0, v0;
	vm14 =	veq.s32 v3, $0x0  }
0x86: {  	s15 =	sadd.s32 $0x1, s15;
	[tilespmem:s16+$0xE840] =	vst v1;
	v1 =	vsel vm14, $0x0, v0;
	vm15 =	veq.s32 v62, $0x0  }
0x87: {  	p0 =	sne.s32 s15, s9;
	[tilespmem:s16+$0xE850] =	vst v1;
	v1 =	vsel vm15, $0x0, v0  }
.Ltmp3:
0x88: {  	[tilespmem:s16+$0xE860] =	vst v1;
	(pc) =	sbr.rel @p0 .LBB2_1-.Ltmp3, $4  }
0x89: {  	[hbm4b:s8+s3] =	stream.linear.scatter [tilespmem:s14], [sflag:$0x2], $0x6400, $0x38;
	[tilespmem:$0x14C00] =	vst v63  }
0x8a: {  	_ =	swait.ge [sflag:s10], $0x6400  }
0x8b: {  	[sflag:s10] =	ssyncset.done $0x0  }
0x8c: {  	[sflag:s10] =	ssyncadd.s32 $0xFFFF9C00  }
0x8d: {  	_ =	sfence.sel $0x180000  }
0x8e: {  	[bflag:$0x0] =	sbarrier.arrive $0xFFFF  }
0x8f: {  	p0 =	sne.s32 s0, $0x0;
	_ =	strace $0x90000047  }
0x90: {  	s0 =	sadd.s32 @!p0 $0x100000, s1;
	[bflag:$0x2] =	sbarrier.arrive $0xFFFF  }
0x91: {  	[sflag:s0] =	ssyncadd.tile.s32 @!p0 $0x1;
	_ =	shalt  }
.Lfunc_end2:
_tile_overlayer_lowered:
.L_overlay_start_2:
0x92: {  	(tag) =	ssettag $0x2  }
0x93: {  	s0 =	rddreg [dreg:$0x0];
	s2 =	stileid.u32  }
0x94: {  	s1 =	rddreg [dreg:$0x1];
	p0 =	sne.s32 s2, $0x0  }
0x95: {  	s3 =	rddreg [dreg:$0x2];
	[bflag:$0x3] =	sbarrier.arrive $0xFFFF;
	s2 =	simm.s32 @!p0 $0x1C02  }
0x96: {  	[timem:s3], [sflag:s2] =	dma.local @!p0 [hbm:s0], s1  }
0x97: {  	s0 =	simm.s32 @!p0 $0x2  }
0x98: {  	_ =	swait.ge @!p0 [sflag:s0], s1  }
0x99: {  	s1 =	ssub.s32 @!p0 $0x0, s1;
	[sflag:s0] =	ssyncset.done @!p0 $0x0  }
0x9a: {  	[sflag:s0] =	ssyncadd.s32 @!p0 s1  }
0x9b: {  	[bflag:$0x3] =	sbarrier.arrive $0xFFFF  }
0x9c: {  	_ =	shalt  }

// kernel: sparse-core-data-format-call.cloned.1.call-start
scs
called_computation_lowered:
.L_overlay_start_0:
0x0: {  	s2 =	sld [smem:$0x3FD9]  }
0x1: {  	s3 =	sld [smem:$0x3FFE];
	_ =	sdelay $0x1  }
0x2: {  	s1 =	srdreg.scid  }
0x3: {  	s0 =	sand.u32 $0x1, s1  }
0x4: {  	s15 =	sshll.u32 s0, $0xA;
	s2 =	sadd.s32 s3, s2  }
0x5: {  	s2 =	sadd.s32 s2, s15  }
0x6: {  	[smem:$0x3FC5] =	sst s2  }
0x7: {  	_ = 	snop  }
0x8: {  	s2 =	sld [smem:$0x3FD0];
	_ =	sdelay $0x2  }
0x9: {  	s16 =	simm.s32 $0xA;
	s4 =	simm.s32 $0x10  }
0xa: {  	[smem:s4], [sflag:s16] =	dma.local [hbm:s2], $0x1  }
0xb: {  	_ =	swait.eq [sflag:s16], $0x1  }
0xc: {  	[sflag:s16] =	ssyncset.done $0x0  }
0xd: {  	[sflag:s16] =	ssyncadd.s32 $0xFFFFFFFF  }
0xe: {  	s17 =	sld [smem:$0x10];
	(tm) =	ssettm $0x1  }
0xf: {  	s18 =	sld [smem:$0x3FFB];
	_ =	sdelay $0x3  }
0x10: {  	_ =	strace s18  }
0x11: {  	s3 =	sld [smem:$0x3FFC];
	_ =	sdelay $0x3  }
0x12: {  	_ =	strace s3  }
0x13: {  	s3 =	sld [smem:$0x3FFD];
	_ =	sdelay $0x3  }
0x14: {  	_ =	strace s3  }
0x15: {  	_ =	strace $0x8FFFFFFF  }
0x16: {  	s19 =	sld [smem:$0x3FDB];
	_ =	sdelay $0x1  }
0x17: {  	s20 =	simm.s32 $_scs_section_size  }
0x18: {  	s5 =	simm.s32 $_size__tile_overlayer_lowered;
	s6 =	simm.s32 $_tile_overlayer_lowered  }
0x19: {  	s23 =	simm.s32 $0x1BFF;
	s22 =	sshll.u32 s6, $0x1;
	s3 =	sadd.s32 s20, s19  }
0x1a: {  	s7 =	simm.s32 $0x0;
	s21 =	sshll.u32 s5, $0x1;
	s5 =	sadd.s32 s22, s3  }
0x1b: {  	[timem:s7], [sflag:s23] =	dma.local [hbm:s5], s21  }
0x1c: {  	_ =	swait.ge [sflag:s23], s21  }
0x1d: {  	s4 =	ssub.s32 $0x0, s21;
	[sflag:s23] =	ssyncset.done $0x0  }
0x1e: {  	[sflag:s23] =	ssyncadd.s32 s4;
	_ =	sdelay $0x1  }
0x1f: {  	s24 =	simm.s32 $0x1B8B  }
0x20: {  	_ =	swait.ge [sflag:s24], $0x1  }
0x21: {  	[sflag:s24] =	ssyncset.done $0x0  }
0x22: {  	s26 =	simm.s32 $0x1B8E;
	s25 =	sld [smem:$0x3FFE];
	[sflag:s24] =	ssyncadd.s32 $0xFFFFFFFF  }
0x23: {  	s27 =	simm.s32 $execute0_lowered;
	[smem:$0x3FD2] =	sst s26  }
0x24: {  	s5 =	sshll.u32 s27, $0x1;
	_ =	strace $0x80000049;
	[dreg:$0x1] =	wrdreg $0xFFFFFFFF  }
0x25: {  	s28 =	simm.s32 $_size_execute0_lowered;
	s3 =	sadd.s32 s3, s5;
	[dreg:$0x0] =	wrdreg $0x0  }
0x26: {  	s5 =	sshll.u32 s28, $0x1;
	[dreg:$0x2] =	wrdreg s3  }
0x27: {  	[dreg:$0x3] =	wrdreg s5  }
0x28: {  	[dreg:$0x4] =	wrdreg $0xC0  }
0x29: {  	_ =	task [dreg:s7], $0x5FFFF  }
0x2a: {  	[dreg:$0x1] =	wrdreg $0xFFFFFFFF  }
0x2b: {  	[dreg:$0x0] =	wrdreg $0x60  }
0x2c: {  	[dreg:$0x2] =	wrdreg s25  }
0x2d: {  	[dreg:$0x3] =	wrdreg s17  }
0x2e: {  	[dreg:$0x4] =	wrdreg $0x9  }
0x2f: {  	_ =	task.clear_ibuf [dreg:s7], $0x5FFFF;
	_ =	strace $0x90000049  }
0x30: {  	s29 =	simm.s32 $0x9;
	_ =	strace $0x8000004B  }
0x31: {  	_ =	swait.ge [sflag:s29], $0x1  }
0x32: {  	[sflag:s29] =	ssyncadd.s32 $0xFFFFFFFF  }
0x33: {  	_ =	strace $0x9000004B  }
0x34: {  	_ =	sfence  }
0x35: {  	s30 =	sld [smem:$0x0];
	_ =	sdelay $0x2  }
0x36: {  	s31 =	sshll.u32 s1, $0xD;
	s1 =	sshrl.u32 s1, $0x2  }
0x37: {  	s3 =	sand.u32 $0x4000, s31;
	s1 =	sadd.s32 s1, s30  }
0x38: {  	s0 =	sor.u32 s3, s0;
	s1 =	sshll.u32 s1, $0x11  }
0x39: {  	s0 =	sor.u32 s1, s0  }
0x3a: {  	s0 =	sadd.s32 $0x8F2B, s0  }
0x3b: {  	[sflag:s0] =	ssyncadd.remote.s32 $0x1  }
0x3c: {  	_ =	sfence.sel $0xFFFF  }
0x3d: {  	[dreg:$0x0] =	wrdreg $0xFFFFFFFF;
	(pc) =	sbr.abs _section_cstart, $3  }
0x3e: {  	[dreg:$0x1] =	wrdreg $0xFFFFFFFF  }
0x3f: {  	_ =	task.clear_ibuf [dreg:s7], $0x2FFFF;
	_ =	strace $0x9FFFFFFF  }
0x40: {  	(tm) =	ssettm $0x7FFFFFFF  }
0x41: {  	_ =	shalt  }
tec
execute0_lowered:
.L_overlay_start_1:
0x0: {  	(tag) =	ssettag $0x1  }
0x1: {  	s0 =	srdreg.scid  }
0x2: {  	s1 =	sshll.u32 s0, $0x4  }
0x3: {  	s4 =	rddreg [dreg:$0x0];
	s0 =	stileid.u32;
	s1 =	sand.u32 $0x10, s1  }
0x4: {  	s2 =	rddreg [dreg:$0x1];
	s7 =	simm.s32 $0x1;
	s1 =	sor.u32 s0, s1  }
0x5: {  	s8 =	simm.s32 $0x2;
	s11 =	simm.s32 $0x0;
	s3 =	sshll.u32 s1, $0x7  }
0x6: {  	s10 =	simm.s32 $0x0;
	s4 =	sadd.s32 $0xE00, s4;
	s6 =	ssub.s32 $0xC8000, s3  }
.Ltmp0:
0x7: {  	s1 =	rddreg [dreg:$0x2];
	s5 =	sand.u32 $0xF80, s6;
	(pc) =	sbr.rel .LBB1_1-.Ltmp0, $4  }
0x8: {  	_ =	strace $0x8000004A;
	s9 =	smov.u32 s3;
	p0 =	sne.s32 s5, $0x0  }
0x9: {  	s6 =	sshrl.u32 s6, $0xC;
	s5 =	simm.s32 $0x1;
	s7 =	simm.s32 @!p0 $0x0  }
0xa: {  	[sflag:s5] =	ssyncpa.u1 $0x0;
	p0 =	por $0x0, $0x0;
	s6 =	sadd.s32 s7, s6  }
0xb: {  	[sflag:s8] =	ssyncpa.u1 $0x0;
	s8 =	simm.s32 $0x640000;
	s7 =	sadd.s32 $0x1, s6  }
.LBB1_4:
0xc: {  	s14 =	sshll.u32 s11, $0x3  }
0xd: {  	s30 =	sand.u32 $0x7F, s11;
	s15 =	sand.u32 $0xFFFFFC00, s14  }
0xe: {  	s11 =	sor.u32 s30, s15  }
0xf: {  	s15 =	smulhi.u32 $0x51EB851F, s11  }
0x10: {  	s14 =	smulhi.u32 $0x51EB851F, s14  }
0x11: {  	s15 =	sshrl.u32 s15, $0x12  }
0x12: {  	s14 =	sshrl.u32 s14, $0x12;
	s15 =	smul.u32 $0xC8000, s15  }
0x13: {  	s14 =	sand.u32 $0x3F, s14  }
0x14: {  	s14 =	smul.u32 $0x19000, s14;
	s11 =	ssub.s32 s11, s15  }
0x15: {  	[tilespmem:s13+$0x810 ss:$0x81] =	vst.msk $0xffff, v2;
	s15 =	sand.u32 $0x7, s11  }
0x16: {  	[tilespmem:s13+$0x1020 ss:$0x81] =	vst.msk $0xffff, v0;
	s14 =	sadd.s32 s2, s14;
	s11 =	sshrl.u32 s11, $0x3;
	s15 =	sshll.u32 s15, $0x12  }
0x17: {  	[tilespmem:s13+$0x0 ss:$0x81] =	vst.msk $0xffff, v1;
	s11 =	sadd.s32 s11, s14;
	s31 =	sor.u32 $0x400, s15  }
0x18: {  	[hbm4b:s11+s31] =	stream.strided.scatter [tilespmem:s12], [sflag:$0x2], $0x2000, s8, s31, $0x20;
	[tilespmem:$0x8080] =	vst v63  }
.LBB1_5:
0x19: {  	s13 =	sadd.s32 $0x1000, s9  }
0x1a: {  	p2 =	sgt.s32 s13, $0xC7FFF  }
0x1b: {  	s13 =	smov.u32 @p2 s3;
	p2 =	sne.s32 s10, s7  }
.Ltmp1:
0x1c: {  	p1 =	slt.u32 s10, $0x2;
	(pc) =	sbr.rel @!p2 .LBB1_6-.Ltmp1, $4  }
0x1d: {  	s12 =	simm.s32 @!p1 $0x2  }
0x1e: {  	s14 =	sadd.s32 $0x1, s10;
	_ =	swait.ge @!p1 [sflag:s12], $0x2000  }
0x1f: {  	s11 =	smov.u32 s9;
	p0 =	por !p0, !p0;
	[sflag:s12] =	ssyncset.done @!p1 $0x0  }
0x20: {  	s10 =	smov.u32 s14;
	s9 =	smov.u32 s13;
	[sflag:s12] =	ssyncadd.s32 @!p1 $0xFFFFE000  }
.LBB1_1:
0x21: {  	p1 =	sge.u32 s10, s6  }
0x22: {  	s12 =	sand.u32 @!p1 $0x1FFFFFF, s9  }
0x23: {  	s13 =	smulhi.u32 @!p1 $0x147AE15, s12;
	_ =	sdelay $0x1  }
0x24: {  	s13 =	sshrl.u32 @!p1 s13, $0xC  }
0x25: {  	s13 =	smul.u32 @!p1 $0xC8000, s13;
	_ =	sdelay $0x1  }
0x26: {  	s31 =	sadd.s32 $0xFFFFFFFF, s10;
	s14 =	sxor.u32 @!p1 $0xFFFFFFFF, s10;
	s12 =	ssub.s32 @!p1 s12, s13  }
0x27: {  	s15 =	simm.s32 @!p1 $0x80;
	s14 =	sshll.u32 @!p1 s14, $0xD;
	s12 =	sshll.u32 @!p1 s12, $0x4  }
0x28: {  	s13 =	sand.u32 @!p1 $0x2000, s14;
	s14 =	simm.s32 @!p1 $0x40;
	s12 =	sadd.s32 @!p1 s4, s12  }
0x29: {  	[tilespmem:s13], [sflag:$0x1] =	stream.strided.gather @!p1 [hbm4b:s12+s14], $0x2000, s15, s14, $0x38;
	[tilespmem:$0x8080] =	vst v63  }
0x2a: {  	p1 =	sge.u32 s31, s6  }
.Ltmp2:
0x2b: {  	_ = 	snop;
	(pc) =	sbr.rel @p1 .LBB1_5-.Ltmp2, $1  }
0x2c: {  	_ =	sdelay $0x3  }
0x2d: {  	s12 =	simm.s32 $0x1  }
0x2e: {  	_ =	swait.ge [sflag:s5], $0x2000;
	s12 =	simm.s32 @!p0 $0x0  }
0x2f: {  	[sflag:s5] =	ssyncset.done $0x0;
	s13 =	sshll.u32 s12, $0xD  }
0x30: {  	[sflag:s5] =	ssyncadd.s32 $0xFFFFE000;
	s16 =	sor.u32 $0x20, s13  }
0x31: {  	s12 =	smul.u32 $0x8100, s12;
	v3 =	vld [tilespmem:s16+$0x10]  }
0x32: {  	s30 =	sand.u32 $0x1, s10;
	v2 =	vld [tilespmem:s16+$0xFFFFFFF0]  }
0x33: {  	s13 =	smul.u32 $0x8100, s30;
	s12 =	sshrl.u32 s12, $0x2;
	v0 =	vld [tilespmem:s16+$0x0]  }
0x34: {  	v1 =	vld [tilespmem:s16+$0xFFFFFFE0];
	s14 =	sor.u32 $0x4000, s12  }
0x35: {  	s31 =	sshrl.u32 s13, $0x2;
	s13 =	sadd.s32 $0x0, s14  }
0x36: {  	s15 =	simm.s32 $0x4;
	s16 =	sadd.s32 $0x40, s16;
	s12 =	sor.u32 $0x4000, s31;
	[tilespmem:s13+$0x1830 ss:$0x81] =	vst.msk $0xffff, v3  }
.LBB1_3:
0x37: {  	v3 =	vld [tilespmem:s16+$0x10];
	p1 =	sne.s32 s15, $0x1FC;
	[tilespmem:s13+$0x810 ss:$0x81] =	vst.msk $0xffff, v2;
	s17 =	smov.u32 s15;
	s15 =	sadd.s32 $0x4, s15  }
.Ltmp3:
0x38: {  	v2 =	vld [tilespmem:s16+$0xFFFFFFF0];
	[tilespmem:s13+$0x1020 ss:$0x81] =	vst.msk $0xffff, v0;
	(pc) =	sbr.rel @p1 .LBB1_3-.Ltmp3, $4  }
0x39: {  	v0 =	vld [tilespmem:s16+$0x0];
	[tilespmem:s13+$0x0 ss:$0x81] =	vst.msk $0xffff, v1  }
0x3a: {  	s13 =	sshra.s32 s17, $0x2;
	v1 =	vld [tilespmem:s16+$0xFFFFFFE0]  }
0x3b: {  	s13 =	sadd.s32 s13, s14  }
0x3c: {  	s16 =	sadd.s32 $0x40, s16;
	[tilespmem:s13+$0x1830 ss:$0x81] =	vst.msk $0xffff, v3  }
.Ltmp4:
0x3d: {  	_ = 	snop;
	(pc) =	sbr.rel .LBB1_4-.Ltmp4, $1  }
0x3e: {  	_ =	sdelay $0x3  }
.LBB1_6:
0x3f: {  	_ =	sfence.sel $0x180000  }
0x40: {  	s2 =	simm.s32 $0x1;
	[bflag:$0x0] =	sbarrier.arrive $0xFFFF  }
0x41: {  	s31 =	simm.s32 $0x2;
	[sflag:s2] =	ssyncpa.u1 $0x1  }
0x42: {  	[sflag:s31] =	ssyncpa.u1 $0x1  }
0x43: {  	p0 =	sne.s32 s0, $0x0;
	_ =	strace $0x9000004A  }
0x44: {  	s0 =	sadd.s32 @!p0 $0x100000, s1;
	[bflag:$0x2] =	sbarrier.arrive $0xFFFF  }
0x45: {  	[sflag:s0] =	ssyncadd.tile.s32 @!p0 $0x1;
	_ =	shalt  }
.Lfunc_end1:
_tile_overlayer_lowered:
.L_overlay_start_2:
0x46: {  	(tag) =	ssettag $0x2  }
0x47: {  	s0 =	rddreg [dreg:$0x0];
	s2 =	stileid.u32  }
0x48: {  	s1 =	rddreg [dreg:$0x1];
	p0 =	sne.s32 s2, $0x0  }
0x49: {  	s3 =	rddreg [dreg:$0x2];
	[bflag:$0x3] =	sbarrier.arrive $0xFFFF;
	s2 =	simm.s32 @!p0 $0x1C01  }
0x4a: {  	[timem:s3], [sflag:s2] =	dma.local @!p0 [hbm:s0], s1  }
0x4b: {  	s0 =	simm.s32 @!p0 $0x1  }
0x4c: {  	_ =	swait.ge @!p0 [sflag:s0], s1  }
0x4d: {  	s1 =	ssub.s32 @!p0 $0x0, s1;
	[sflag:s0] =	ssyncset.done @!p0 $0x0  }
0x4e: {  	[sflag:s0] =	ssyncadd.s32 @!p0 s1  }
0x4f: {  	[bflag:$0x3] =	sbarrier.arrive $0xFFFF  }
0x50: {  	_ =	shalt  }

</sc_bundles>
